<compile_context>
chip_gen: v7x
topology: tpu7x:2x2x1
jax: 0.10.2.dev20260603
libtpu: 0.0.44.dev20260713+nightly
codegen_flags: <defaults>
</compile_context>

<pallas_src>
import functools

import jax
import jax.numpy as jnp
import numpy as np
from jax import lax
from jax.experimental import pallas as pl
from jax.experimental.pallas import tpu as pltpu
from jax.experimental.pallas import tpu_sc as plsc

_IN = 64
_OUT = 96
_C = 8
_L = 16
_ROWW = _IN * _C
_OROWW = _OUT * _C
_QY = 24
_NW = 32
_NTASK = 2 * _OUT
_PER_W = _NTASK // _NW
_RVR = _ROWW // _L
_OVR = _OROWW // _L


def _interp_1d():
    loc = np.linspace(0.0, _IN - 1.0, _OUT)
    k0 = np.clip(np.floor(loc), 0, _IN - 1).astype(np.int64)
    k1 = np.clip(k0 + 1, 0, _IN - 1)
    w0 = k1.astype(np.float64) - loc
    return k0, k1, w0.astype(np.float32)


def _tables():
    k0, k1, w0 = _interp_1d()
    w0rep = np.repeat(w0, _L).astype(np.float32)
    p = np.arange(_OUT * _C)
    jx, c = p // _C, p % _C
    idx0 = (k0[jx] * _C + c).astype(np.int32)
    idx1 = (k1[jx] * _C + c).astype(np.int32)
    b0 = w0[jx].astype(np.float32)
    return w0rep, idx0, idx1, b0


def _body(x_hbm, w0_hbm, idx0_hbm, idx1_hbm, b0_hbm, out_hbm,
          pa_v, pb_v, tyq_v, ob0_v, ob1_v, w0_v, idx0_v, idx1_v, b0_v,
          sem_ina, sem_inb, sem_o0, sem_o1):
    wid = lax.axis_index("s") * 2 + lax.axis_index("c")

    pltpu.sync_copy(w0_hbm, w0_v)
    pltpu.sync_copy(idx0_hbm, idx0_v)
    pltpu.sync_copy(idx1_hbm, idx1_v)
    pltpu.sync_copy(b0_hbm, b0_v)

    one = jnp.float32(1.0)
    obufs = (ob0_v, ob1_v)
    osems = (sem_o0, sem_o1)

    def task(i, _):
        t = wid * _PER_W + i
        b = jnp.where(t >= _OUT, 1, 0)
        jz = t - b * _OUT
        kz0 = (jz * (63 * 690)) >> 16
        kz1 = jnp.minimum(kz0 + 1, _IN - 1)

        ha = pltpu.async_copy(x_hbm.at[b, kz0], pa_v, sem_ina)
        hb = pltpu.async_copy(x_hbm.at[b, kz1], pb_v, sem_inb)
        ha.wait()
        hb.wait()

        wz0 = w0_v[pl.ds(jz * _L, _L)]
        wz1 = one - wz0

        def zlerp(rr, _):
            @plsc.parallel_loop(0, _RVR, unroll=8)
            def _zb(u):
                s = pl.ds(u * _L, _L)
                pa_v[rr, s] = wz0 * pa_v[rr, s] + wz1 * pb_v[rr, s]

            return 0

        lax.fori_loop(0, _IN, zlerp, 0)

        out_handles = [None, None]
        for Q in range(4):
            ob_v = obufs[Q % 2]
            if out_handles[Q % 2] is not None:
                out_handles[Q % 2].wait()

            def yrow(jl, _):
                jy = Q * _QY + jl
                ky0 = (jy * (63 * 690)) >> 16
                ky1 = jnp.minimum(ky0 + 1, _IN - 1)
                wy0 = w0_v[pl.ds(jy * _L, _L)]
                wy1 = one - wy0
                base = jl * _ROWW

                @plsc.parallel_loop(0, _RVR, unroll=8)
                def _tyb(u):
                    s = pl.ds(u * _L, _L)
                    tyq_v[pl.ds(base + u * _L, _L)] = (
                        wy0 * pa_v[ky0, s] + wy1 * pa_v[ky1, s]
                    )

                return 0

            lax.fori_loop(0, _QY, yrow, 0)

            def xcol(v, _):
                s = pl.ds(v * _L, _L)
                iv0 = idx0_v[s]
                iv1 = idx1_v[s]
                bw0 = b0_v[s]
                bw1 = one - bw0

                @plsc.parallel_loop(0, _QY, unroll=8)
                def _xrow(jl):
                    off = jl * _ROWW
                    g0 = plsc.load_gather(tyq_v, [iv0 + off])
                    g1 = plsc.load_gather(tyq_v, [iv1 + off])
                    ob_v[jl, s] = bw0 * g0 + bw1 * g1

                return 0

            lax.fori_loop(0, _OVR, xcol, 0)

            out_handles[Q % 2] = pltpu.async_copy(
                ob_v, out_hbm.at[b, jz, pl.ds(Q * _QY, _QY)], osems[Q % 2]
            )

        out_handles[0].wait()
        out_handles[1].wait()
        return 0

    lax.fori_loop(0, _PER_W, task, 0)


@jax.jit
def kernel(x):
    B = x.shape[0]
    w0rep, idx0, idx1, b0 = _tables()
    mesh = plsc.VectorSubcoreMesh(
        core_axis_name="c", subcore_axis_name="s", num_cores=2, num_subcores=16
    )
    run = functools.partial(
        pl.kernel,
        out_type=jax.ShapeDtypeStruct((B, _OUT, _OUT, _OROWW), jnp.float32),
        mesh=mesh,
        compiler_params=pltpu.CompilerParams(needs_layout_passes=False),
        scratch_types=[
            pltpu.VMEM((_IN, _ROWW), jnp.float32),
            pltpu.VMEM((_IN, _ROWW), jnp.float32),
            pltpu.VMEM((_QY * _ROWW,), jnp.float32),
            pltpu.VMEM((_QY, _OROWW), jnp.float32),
            pltpu.VMEM((_QY, _OROWW), jnp.float32),
            pltpu.VMEM((_OUT * _L,), jnp.float32),
            pltpu.VMEM((_OROWW,), jnp.int32),
            pltpu.VMEM((_OROWW,), jnp.int32),
            pltpu.VMEM((_OROWW,), jnp.float32),
            pltpu.SemaphoreType.DMA,
            pltpu.SemaphoreType.DMA,
            pltpu.SemaphoreType.DMA,
            pltpu.SemaphoreType.DMA,
        ],
    )(_body)
    x2 = x.reshape(B, _IN, _IN, _ROWW)
    out = run(x2, jnp.asarray(w0rep), jnp.asarray(idx0), jnp.asarray(idx1),
              jnp.asarray(b0))
    return out.reshape(B, _OUT, _OUT, _OUT, _C)

# --- scband reference (transcript-rebuilt; emitter-appended) ---
"""Pipeline reference for scband-resize-35613868819061 (READ-ONLY COPY).

The authoritative reference and input builder live on the scoring server;
editing this copy changes nothing except your own understanding.
"""

import jax, jax.numpy as jnp
import numpy as np
import itertools

ZOOM = 1.5


def interpn_linear(vol, loc):
    # vol: [*vshape, C]; loc: [*new_shape, nd] interpolation coordinates
    nd = loc.shape[-1]
    vshape = vol.shape[:-1]
    loc = loc.astype(jnp.float32)
    loc0 = jnp.floor(loc)
    max_loc = [d - 1 for d in vol.shape]
    clipped_loc = [jnp.clip(loc[..., d], 0, max_loc[d]) for d in range(nd)]
    loc0lst = [jnp.clip(loc0[..., d], 0, max_loc[d]) for d in range(nd)]
    loc1 = [jnp.clip(loc0lst[d] + 1, 0, max_loc[d]) for d in range(nd)]
    locs = [[f.astype(jnp.int32) for f in loc0lst], [f.astype(jnp.int32) for f in loc1]]
    diff_loc1 = [loc1[d] - clipped_loc[d] for d in range(nd)]
    diff_loc0 = [1.0 - dd for dd in diff_loc1]
    weights_loc = [diff_loc1, diff_loc0]
    C = vol.shape[-1]
    flat = vol.reshape(-1, C)
    k = np.cumprod(np.array(vshape[::-1]))
    interp_vol = 0.0
    for c in itertools.product([0, 1], repeat=nd):
        subs = [locs[c[d]][d] for d in range(nd)]
        # sub2ind, column-order major over spatial dims
        ndx = subs[-1]
        for i, v in enumerate(subs[:-1][::-1]):
            ndx = ndx + v * int(k[i])
        vals = jnp.take(flat, ndx.reshape(-1), axis=0).reshape(ndx.shape + (C,))
        wt = weights_loc[c[0]][0]
        for d in range(1, nd):
            wt = wt * weights_loc[c[d]][d]
        interp_vol = interp_vol + wt[..., None] * vals
    return interp_vol


def resize_one(vol):
    # vol: [*vshape, C]
    vshape = vol.shape[:-1]
    nd = len(vshape)
    new_shape = [int(vshape[d] * ZOOM) for d in range(nd)]
    lin = [jnp.linspace(0.0, vshape[d] - 1.0, new_shape[d]) for d in range(nd)]
    mesh = jnp.meshgrid(*lin, indexing='ij')
    grid = jnp.stack(mesh, axis=-1)
    return interpn_linear(vol, grid)


def setup_inputs(seed: int = 0) -> dict:
    key = jax.random.key(seed)
    x = jax.random.normal(key, (2, 64, 64, 64, 8), dtype=jnp.float32)
    return {"x": x}


def reference(x):
    # Resize layer: per-batch N-D linear resampling at zoom_factor
    return jax.vmap(resize_one)(x)

if __name__ == "__main__":
    import jax
    _d = setup_inputs()
    print(jax.jit(kernel)(*tuple(_d.values())))

</pallas_src>

<mosaic_0001>
#map = affine_map<(d0, d1) -> (0, 0, 0, 0)>
#map1 = affine_map<(d0, d1) -> (0)>
module attributes {stable_mosaic.version = 14 : i64} {
  func.func @_body(%arg0: i32, %arg1: i32, %arg2: memref<2x64x64x512xf32, #tpu.memory_space<hbm>>, %arg3: memref<1536xf32, #tpu.memory_space<hbm>>, %arg4: memref<768xi32, #tpu.memory_space<hbm>>, %arg5: memref<768xi32, #tpu.memory_space<hbm>>, %arg6: memref<768xf32, #tpu.memory_space<hbm>>, %arg7: memref<2x96x96x768xf32, #tpu.memory_space<hbm>>, %arg8: memref<64x512xf32, #tpu.memory_space<vmem>>, %arg9: memref<64x512xf32, #tpu.memory_space<vmem>>, %arg10: memref<12288xf32, #tpu.memory_space<vmem>>, %arg11: memref<24x768xf32, #tpu.memory_space<vmem>>, %arg12: memref<24x768xf32, #tpu.memory_space<vmem>>, %arg13: memref<1536xf32, #tpu.memory_space<vmem>>, %arg14: memref<768xi32, #tpu.memory_space<vmem>>, %arg15: memref<768xi32, #tpu.memory_space<vmem>>, %arg16: memref<768xf32, #tpu.memory_space<vmem>>, %arg17: memref<!tpu.dma_semaphore, #tpu.memory_space<semaphore_mem>>, %arg18: memref<!tpu.dma_semaphore, #tpu.memory_space<semaphore_mem>>, %arg19: memref<!tpu.dma_semaphore, #tpu.memory_space<semaphore_mem>>, %arg20: memref<!tpu.dma_semaphore, #tpu.memory_space<semaphore_mem>>) attributes {dimension_semantics = [#tpu.dimension_semantics<core_parallel>, #tpu.dimension_semantics<subcore_parallel>], iteration_bounds = array<i64: 2, 16>, scalar_prefetch = 0 : i64, scratch_operands = 13 : i64, tpu.core_type = #tpu.core_type<sc_vector_subcore>, window_params = [{transform_indices = #map}, {transform_indices = #map1}, {transform_indices = #map1}, {transform_indices = #map1}, {transform_indices = #map1}, {transform_indices = #map}]} {
    %mul3A = arith.constant 2 : i32
    %mul3A_0 = arith.muli %arg1, %mul3A : i32
    %add3A = arith.addi %mul3A_0, %arg0 : i32
    "tpu.region"() ({
      %run_scoped3A = tpu.sem_alloc : memref<!tpu.dma_semaphore, #tpu.memory_space<semaphore_mem>>
      tpu.enqueue_dma source(%arg3 : memref<1536xf32, #tpu.memory_space<hbm>>) target(%arg13 : memref<1536xf32, #tpu.memory_space<vmem>>) target_semaphore(%run_scoped3A : memref<!tpu.dma_semaphore, #tpu.memory_space<semaphore_mem>>)
      tpu.wait_dma2 semaphore(%run_scoped3A : memref<!tpu.dma_semaphore, #tpu.memory_space<semaphore_mem>>) src(%arg3 : memref<1536xf32, #tpu.memory_space<hbm>>) dst(%arg13 : memref<1536xf32, #tpu.memory_space<vmem>>)
      tpu.yield
    }) : () -> ()
    "tpu.region"() ({
      %run_scoped3A = tpu.sem_alloc : memref<!tpu.dma_semaphore, #tpu.memory_space<semaphore_mem>>
      tpu.enqueue_dma source(%arg4 : memref<768xi32, #tpu.memory_space<hbm>>) target(%arg14 : memref<768xi32, #tpu.memory_space<vmem>>) target_semaphore(%run_scoped3A : memref<!tpu.dma_semaphore, #tpu.memory_space<semaphore_mem>>)
      tpu.wait_dma2 semaphore(%run_scoped3A : memref<!tpu.dma_semaphore, #tpu.memory_space<semaphore_mem>>) src(%arg4 : memref<768xi32, #tpu.memory_space<hbm>>) dst(%arg14 : memref<768xi32, #tpu.memory_space<vmem>>)
      tpu.yield
    }) : () -> ()
    "tpu.region"() ({
      %run_scoped3A = tpu.sem_alloc : memref<!tpu.dma_semaphore, #tpu.memory_space<semaphore_mem>>
      tpu.enqueue_dma source(%arg5 : memref<768xi32, #tpu.memory_space<hbm>>) target(%arg15 : memref<768xi32, #tpu.memory_space<vmem>>) target_semaphore(%run_scoped3A : memref<!tpu.dma_semaphore, #tpu.memory_space<semaphore_mem>>)
      tpu.wait_dma2 semaphore(%run_scoped3A : memref<!tpu.dma_semaphore, #tpu.memory_space<semaphore_mem>>) src(%arg5 : memref<768xi32, #tpu.memory_space<hbm>>) dst(%arg15 : memref<768xi32, #tpu.memory_space<vmem>>)
      tpu.yield
    }) : () -> ()
    "tpu.region"() ({
      %run_scoped3A = tpu.sem_alloc : memref<!tpu.dma_semaphore, #tpu.memory_space<semaphore_mem>>
      tpu.enqueue_dma source(%arg6 : memref<768xf32, #tpu.memory_space<hbm>>) target(%arg16 : memref<768xf32, #tpu.memory_space<vmem>>) target_semaphore(%run_scoped3A : memref<!tpu.dma_semaphore, #tpu.memory_space<semaphore_mem>>)
      tpu.wait_dma2 semaphore(%run_scoped3A : memref<!tpu.dma_semaphore, #tpu.memory_space<semaphore_mem>>) src(%arg6 : memref<768xf32, #tpu.memory_space<hbm>>) dst(%arg16 : memref<768xf32, #tpu.memory_space<vmem>>)
      tpu.yield
    }) : () -> ()
    %scan3A = arith.constant 1.000000e+00 : f32
    %scan3A_1 = arith.constant 0 : i32
    %scan3A_2 = arith.constant 0 : i32
    %scan3A_3 = arith.constant 6 : i32
    %scan3A_4 = arith.addi %scan3A_2, %scan3A_3 : i32
    %scan3A_5 = arith.constant 1 : i32
    %scan3A_6 = scf.for %scan3A_8 = %scan3A_2 to %scan3A_4 step %scan3A_5 iter_args(%scan3A_9 = %scan3A_1) -> (i32)  : i32 {
      %mul3A_10 = arith.constant 6 : i32
      %mul3A_11 = arith.muli %add3A, %mul3A_10 : i32
      %add3A_12 = arith.addi %mul3A_11, %scan3A_8 : i32
      %ge3A = arith.constant 96 : i32
      %ge3A_13 = arith.cmpi sge, %add3A_12, %ge3A : i32
      %jit3A = arith.constant 1 : i32
      %jit3A_14 = arith.constant 0 : i32
      %select_n3A = arith.select %ge3A_13, %jit3A, %jit3A_14 : i32
      %mul3A_15 = arith.constant 96 : i32
      %mul3A_16 = arith.muli %select_n3A, %mul3A_15 : i32
      %sub3A = arith.subi %add3A_12, %mul3A_16 : i32
      %mul3A_17 = arith.constant 43470 : i32
      %mul3A_18 = arith.muli %sub3A, %mul3A_17 : i32
      %shift_right_arithmetic3A = arith.constant 16 : i32
      %shift_right_arithmetic3A_19 = arith.shrsi %mul3A_18, %shift_right_arithmetic3A : i32
      %add3A_20 = arith.constant 1 : i32
      %add3A_21 = arith.addi %shift_right_arithmetic3A_19, %add3A_20 : i32
      %min3A = arith.constant 63 : i32
      %min3A_22 = arith.minsi %add3A_21, %min3A : i32
      %dma_start3A = arith.constant 0 : i32
      %dma_start3A_23 = arith.constant 0 : i32
      %dma_start3A_24 = tpu.memref_slice %arg2[%select_n3A, %shift_right_arithmetic3A_19, %dma_start3A, %dma_start3A_23] : memref<2x64x64x512xf32, #tpu.memory_space<hbm>> -> memref<1x1x64x512xf32, #tpu.memory_space<hbm>>
      %dma_start3A_25 = tpu.memref_squeeze %dma_start3A_24 : memref<1x1x64x512xf32, #tpu.memory_space<hbm>> -> memref<64x512xf32, #tpu.memory_space<hbm>>
      %dma_start3A_26 = arith.constant 0 : i32
      %dma_start3A_27 = arith.constant 0 : i32
      %dma_start3A_28 = tpu.memref_slice %arg2[%select_n3A, %shift_right_arithmetic3A_19, %dma_start3A_26, %dma_start3A_27] : memref<2x64x64x512xf32, #tpu.memory_space<hbm>> -> memref<1x1x64x512xf32, #tpu.memory_space<hbm>>
      %dma_start3A_29 = tpu.memref_squeeze %dma_start3A_28 : memref<1x1x64x512xf32, #tpu.memory_space<hbm>> -> memref<64x512xf32, #tpu.memory_space<hbm>>
      tpu.enqueue_dma source(%dma_start3A_29 : memref<64x512xf32, #tpu.memory_space<hbm>>) target(%arg8 : memref<64x512xf32, #tpu.memory_space<vmem>>) target_semaphore(%arg17 : memref<!tpu.dma_semaphore, #tpu.memory_space<semaphore_mem>>)
      %dma_start3A_30 = arith.constant 0 : i32
      %dma_start3A_31 = arith.constant 0 : i32
      %dma_start3A_32 = tpu.memref_slice %arg2[%select_n3A, %min3A_22, %dma_start3A_30, %dma_start3A_31] : memref<2x64x64x512xf32, #tpu.memory_space<hbm>> -> memref<1x1x64x512xf32, #tpu.memory_space<hbm>>
      %dma_start3A_33 = tpu.memref_squeeze %dma_start3A_32 : memref<1x1x64x512xf32, #tpu.memory_space<hbm>> -> memref<64x512xf32, #tpu.memory_space<hbm>>
      %dma_start3A_34 = arith.constant 0 : i32
      %dma_start3A_35 = arith.constant 0 : i32
      %dma_start3A_36 = tpu.memref_slice %arg2[%select_n3A, %min3A_22, %dma_start3A_34, %dma_start3A_35] : memref<2x64x64x512xf32, #tpu.memory_space<hbm>> -> memref<1x1x64x512xf32, #tpu.memory_space<hbm>>
      %dma_start3A_37 = tpu.memref_squeeze %dma_start3A_36 : memref<1x1x64x512xf32, #tpu.memory_space<hbm>> -> memref<64x512xf32, #tpu.memory_space<hbm>>
      tpu.enqueue_dma source(%dma_start3A_37 : memref<64x512xf32, #tpu.memory_space<hbm>>) target(%arg9 : memref<64x512xf32, #tpu.memory_space<vmem>>) target_semaphore(%arg18 : memref<!tpu.dma_semaphore, #tpu.memory_space<semaphore_mem>>)
      %dma_wait3A = arith.constant 0 : i32
      %dma_wait3A_38 = arith.constant 0 : i32
      %dma_wait3A_39 = tpu.memref_slice %arg2[%select_n3A, %shift_right_arithmetic3A_19, %dma_wait3A, %dma_wait3A_38] : memref<2x64x64x512xf32, #tpu.memory_space<hbm>> -> memref<1x1x64x512xf32, #tpu.memory_space<hbm>>
      %dma_wait3A_40 = tpu.memref_squeeze %dma_wait3A_39 : memref<1x1x64x512xf32, #tpu.memory_space<hbm>> -> memref<64x512xf32, #tpu.memory_space<hbm>>
      %dma_wait3A_41 = arith.constant 0 : i32
      %dma_wait3A_42 = arith.constant 0 : i32
      %dma_wait3A_43 = tpu.memref_slice %arg2[%select_n3A, %shift_right_arithmetic3A_19, %dma_wait3A_41, %dma_wait3A_42] : memref<2x64x64x512xf32, #tpu.memory_space<hbm>> -> memref<1x1x64x512xf32, #tpu.memory_space<hbm>>
      %dma_wait3A_44 = tpu.memref_squeeze %dma_wait3A_43 : memref<1x1x64x512xf32, #tpu.memory_space<hbm>> -> memref<64x512xf32, #tpu.memory_space<hbm>>
      tpu.wait_dma2 semaphore(%arg17 : memref<!tpu.dma_semaphore, #tpu.memory_space<semaphore_mem>>) src(%dma_wait3A_44 : memref<64x512xf32, #tpu.memory_space<hbm>>) dst(%arg8 : memref<64x512xf32, #tpu.memory_space<vmem>>)
      %dma_wait3A_45 = arith.constant 0 : i32
      %dma_wait3A_46 = arith.constant 0 : i32
      %dma_wait3A_47 = tpu.memref_slice %arg2[%select_n3A, %min3A_22, %dma_wait3A_45, %dma_wait3A_46] : memref<2x64x64x512xf32, #tpu.memory_space<hbm>> -> memref<1x1x64x512xf32, #tpu.memory_space<hbm>>
      %dma_wait3A_48 = tpu.memref_squeeze %dma_wait3A_47 : memref<1x1x64x512xf32, #tpu.memory_space<hbm>> -> memref<64x512xf32, #tpu.memory_space<hbm>>
      %dma_wait3A_49 = arith.constant 0 : i32
      %dma_wait3A_50 = arith.constant 0 : i32
      %dma_wait3A_51 = tpu.memref_slice %arg2[%select_n3A, %min3A_22, %dma_wait3A_49, %dma_wait3A_50] : memref<2x64x64x512xf32, #tpu.memory_space<hbm>> -> memref<1x1x64x512xf32, #tpu.memory_space<hbm>>
      %dma_wait3A_52 = tpu.memref_squeeze %dma_wait3A_51 : memref<1x1x64x512xf32, #tpu.memory_space<hbm>> -> memref<64x512xf32, #tpu.memory_space<hbm>>
      tpu.wait_dma2 semaphore(%arg18 : memref<!tpu.dma_semaphore, #tpu.memory_space<semaphore_mem>>) src(%dma_wait3A_52 : memref<64x512xf32, #tpu.memory_space<hbm>>) dst(%arg9 : memref<64x512xf32, #tpu.memory_space<vmem>>)
      %mul3A_53 = arith.constant 16 : i32
      %mul3A_54 = arith.muli %sub3A, %mul3A_53 : i32
      %get3A = arith.index_cast %mul3A_54 : i32 to index
      %get3A_55 = tpu.vector_load %arg13[%get3A] {strides = array<i32>} : memref<1536xf32, #tpu.memory_space<vmem>>, vector<16xf32>,
      %sub3A_56 = vector.broadcast %scan3A : f32 to vector<16xf32>
      %sub3A_57 = arith.subf %sub3A_56, %get3A_55 : vector<16xf32>
      %scan3A_58 = arith.constant 0 : i32
      %scan3A_59 = arith.constant 0 : i32
      %scan3A_60 = arith.constant 64 : i32
      %scan3A_61 = arith.addi %scan3A_59, %scan3A_60 : i32
      %scan3A_62 = arith.constant 1 : i32
      %scan3A_63 = scf.for %scan3A_186 = %scan3A_59 to %scan3A_61 step %scan3A_62 iter_args(%scan3A_187 = %scan3A_58) -> (i32)  : i32 {
        %parallel_loop3A = arith.constant 0 : i32
        %parallel_loop3A_188 = arith.constant 32 : i32
        %parallel_loop3A_189 = arith.constant 1 : i32
        scf.for %parallel_loop3A_191 = %parallel_loop3A to %parallel_loop3A_188 step %parallel_loop3A_189  : i32 {
          %parallel_loop3A_192 = arith.constant 16 : i32
          %parallel_loop3A_193 = arith.muli %parallel_loop3A_191, %parallel_loop3A_192 : i32
          %parallel_loop3A_194 = arith.index_cast %scan3A_186 : i32 to index
          %parallel_loop3A_195 = arith.index_cast %parallel_loop3A_193 : i32 to index
          %parallel_loop3A_196 = tpu.vector_load %arg8[%parallel_loop3A_194, %parallel_loop3A_195] {strides = array<i32>} : memref<64x512xf32, #tpu.memory_space<vmem>>, vector<16xf32>,
          %parallel_loop3A_197 = arith.mulf %get3A_55, %parallel_loop3A_196 : vector<16xf32>
          %parallel_loop3A_198 = arith.index_cast %scan3A_186 : i32 to index
          %parallel_loop3A_199 = arith.index_cast %parallel_loop3A_193 : i32 to index
          %parallel_loop3A_200 = tpu.vector_load %arg9[%parallel_loop3A_198, %parallel_loop3A_199] {strides = array<i32>} : memref<64x512xf32, #tpu.memory_space<vmem>>, vector<16xf32>,
          %parallel_loop3A_201 = arith.mulf %sub3A_57, %parallel_loop3A_200 : vector<16xf32>
          %parallel_loop3A_202 = arith.addf %parallel_loop3A_197, %parallel_loop3A_201 : vector<16xf32>
          %parallel_loop3A_203 = arith.index_cast %scan3A_186 : i32 to index
          %parallel_loop3A_204 = arith.index_cast %parallel_loop3A_193 : i32 to index
          %parallel_loop3A_205 = tpu.vector_load %arg8[%parallel_loop3A_203, %parallel_loop3A_204] {strides = array<i32>} : memref<64x512xf32, #tpu.memory_space<vmem>>, vector<16xf32>,
          tpu.vector_store %arg8[%parallel_loop3A_203, %parallel_loop3A_204], %parallel_loop3A_202 {strides = array<i32>} : memref<64x512xf32, #tpu.memory_space<vmem>>, vector<16xf32>,
        } {sc.loop_unroll_factor = 8 : i64, sc.parallel_access}
        %scan3A_190 = arith.constant 0 : i32
        scf.yield %scan3A_190 : i32
      }
      %scan3A_64 = arith.constant 64 : i32
      %scan3A_65 = arith.constant 0 : i32
      %scan3A_66 = arith.constant 0 : i32
      %scan3A_67 = arith.constant 24 : i32
      %scan3A_68 = arith.addi %scan3A_66, %scan3A_67 : i32
      %scan3A_69 = arith.constant 1 : i32
      %scan3A_70 = scf.for %scan3A_186 = %scan3A_66 to %scan3A_68 step %scan3A_69 iter_args(%scan3A_187 = %scan3A_65) -> (i32)  : i32 {
        %add3A_188 = arith.constant 0 : i32
        %add3A_189 = arith.addi %add3A_188, %scan3A_186 : i32
        %mul3A_190 = arith.constant 43470 : i32
        %mul3A_191 = arith.muli %add3A_189, %mul3A_190 : i32
        %shift_right_arithmetic3A_192 = arith.constant 16 : i32
        %shift_right_arithmetic3A_193 = arith.shrsi %mul3A_191, %shift_right_arithmetic3A_192 : i32
        %add3A_194 = arith.constant 1 : i32
        %add3A_195 = arith.addi %shift_right_arithmetic3A_193, %add3A_194 : i32
        %min3A_196 = arith.constant 63 : i32
        %min3A_197 = arith.minsi %add3A_195, %min3A_196 : i32
        %mul3A_198 = arith.constant 16 : i32
        %mul3A_199 = arith.muli %add3A_189, %mul3A_198 : i32
        %get3A_200 = arith.index_cast %mul3A_199 : i32 to index
        %get3A_201 = tpu.vector_load %arg13[%get3A_200] {strides = array<i32>} : memref<1536xf32, #tpu.memory_space<vmem>>, vector<16xf32>,
        %sub3A_202 = vector.broadcast %scan3A : f32 to vector<16xf32>
        %sub3A_203 = arith.subf %sub3A_202, %get3A_201 : vector<16xf32>
        %mul3A_204 = arith.constant 512 : i32
        %mul3A_205 = arith.muli %scan3A_186, %mul3A_204 : i32
        %parallel_loop3A = arith.constant 0 : i32
        %parallel_loop3A_206 = arith.constant 32 : i32
        %parallel_loop3A_207 = arith.constant 1 : i32
        scf.for %parallel_loop3A_209 = %parallel_loop3A to %parallel_loop3A_206 step %parallel_loop3A_207  : i32 {
          %parallel_loop3A_210 = arith.constant 16 : i32
          %parallel_loop3A_211 = arith.muli %parallel_loop3A_209, %parallel_loop3A_210 : i32
          %parallel_loop3A_212 = arith.index_cast %shift_right_arithmetic3A_193 : i32 to index
          %parallel_loop3A_213 = arith.index_cast %parallel_loop3A_211 : i32 to index
          %parallel_loop3A_214 = tpu.vector_load %arg8[%parallel_loop3A_212, %parallel_loop3A_213] {strides = array<i32>} : memref<64x512xf32, #tpu.memory_space<vmem>>, vector<16xf32>,
          %parallel_loop3A_215 = arith.mulf %get3A_201, %parallel_loop3A_214 : vector<16xf32>
          %parallel_loop3A_216 = arith.index_cast %min3A_197 : i32 to index
          %parallel_loop3A_217 = arith.index_cast %parallel_loop3A_211 : i32 to index
          %parallel_loop3A_218 = tpu.vector_load %arg8[%parallel_loop3A_216, %parallel_loop3A_217] {strides = array<i32>} : memref<64x512xf32, #tpu.memory_space<vmem>>, vector<16xf32>,
          %parallel_loop3A_219 = arith.mulf %sub3A_203, %parallel_loop3A_218 : vector<16xf32>
          %parallel_loop3A_220 = arith.addf %parallel_loop3A_215, %parallel_loop3A_219 : vector<16xf32>
          %parallel_loop3A_221 = arith.constant 16 : i32
          %parallel_loop3A_222 = arith.muli %parallel_loop3A_209, %parallel_loop3A_221 : i32
          %parallel_loop3A_223 = arith.addi %mul3A_205, %parallel_loop3A_222 : i32
          %parallel_loop3A_224 = arith.index_cast %parallel_loop3A_223 : i32 to index
          %parallel_loop3A_225 = tpu.vector_load %arg10[%parallel_loop3A_224] {strides = array<i32>} : memref<12288xf32, #tpu.memory_space<vmem>>, vector<16xf32>,
          tpu.vector_store %arg10[%parallel_loop3A_224], %parallel_loop3A_220 {strides = array<i32>} : memref<12288xf32, #tpu.memory_space<vmem>>, vector<16xf32>,
        } {sc.loop_unroll_factor = 8 : i64, sc.parallel_access}
        %scan3A_208 = arith.constant 0 : i32
        scf.yield %scan3A_208 : i32
      }
      %scan3A_71 = arith.constant 24 : i32
      %scan3A_72 = arith.constant 0 : i32
      %scan3A_73 = arith.constant 0 : i32
      %scan3A_74 = arith.constant 48 : i32
      %scan3A_75 = arith.addi %scan3A_73, %scan3A_74 : i32
      %scan3A_76 = arith.constant 1 : i32
      %scan3A_77 = scf.for %scan3A_186 = %scan3A_73 to %scan3A_75 step %scan3A_76 iter_args(%scan3A_187 = %scan3A_72) -> (i32)  : i32 {
        %mul3A_188 = arith.constant 16 : i32
        %mul3A_189 = arith.muli %scan3A_186, %mul3A_188 : i32
        %get3A_190 = arith.index_cast %mul3A_189 : i32 to index
        %get3A_191 = tpu.vector_load %arg14[%get3A_190] {strides = array<i32>} : memref<768xi32, #tpu.memory_space<vmem>>, vector<16xi32>,
        %get3A_192 = arith.index_cast %mul3A_189 : i32 to index
        %get3A_193 = tpu.vector_load %arg15[%get3A_192] {strides = array<i32>} : memref<768xi32, #tpu.memory_space<vmem>>, vector<16xi32>,
        %get3A_194 = arith.index_cast %mul3A_189 : i32 to index
        %get3A_195 = tpu.vector_load %arg16[%get3A_194] {strides = array<i32>} : memref<768xf32, #tpu.memory_space<vmem>>, vector<16xf32>,
        %sub3A_196 = vector.broadcast %scan3A : f32 to vector<16xf32>
        %sub3A_197 = arith.subf %sub3A_196, %get3A_195 : vector<16xf32>
        %parallel_loop3A = arith.constant 0 : i32
        %parallel_loop3A_198 = arith.constant 24 : i32
        %parallel_loop3A_199 = arith.constant 1 : i32
        scf.for %parallel_loop3A_201 = %parallel_loop3A to %parallel_loop3A_198 step %parallel_loop3A_199  : i32 {
          %parallel_loop3A_202 = arith.constant 512 : i32
          %parallel_loop3A_203 = arith.muli %parallel_loop3A_201, %parallel_loop3A_202 : i32
          %parallel_loop3A_204 = vector.broadcast %parallel_loop3A_203 : i32 to vector<16xi32>
          %parallel_loop3A_205 = arith.addi %get3A_191, %parallel_loop3A_204 : vector<16xi32>
          %parallel_loop3A_206 = tpu.vector_load_idx %arg10[%parallel_loop3A_205] : memref<12288xf32, #tpu.memory_space<vmem>>[vector<16xi32>], vector<16xf32>,
          %parallel_loop3A_207 = vector.broadcast %parallel_loop3A_203 : i32 to vector<16xi32>
          %parallel_loop3A_208 = arith.addi %get3A_193, %parallel_loop3A_207 : vector<16xi32>
          %parallel_loop3A_209 = tpu.vector_load_idx %arg10[%parallel_loop3A_208] : memref<12288xf32, #tpu.memory_space<vmem>>[vector<16xi32>], vector<16xf32>,
          %parallel_loop3A_210 = arith.mulf %get3A_195, %parallel_loop3A_206 : vector<16xf32>
          %parallel_loop3A_211 = arith.mulf %sub3A_197, %parallel_loop3A_209 : vector<16xf32>
          %parallel_loop3A_212 = arith.addf %parallel_loop3A_210, %parallel_loop3A_211 : vector<16xf32>
          %parallel_loop3A_213 = arith.index_cast %parallel_loop3A_201 : i32 to index
          %parallel_loop3A_214 = arith.index_cast %mul3A_189 : i32 to index
          %parallel_loop3A_215 = tpu.vector_load %arg11[%parallel_loop3A_213, %parallel_loop3A_214] {strides = array<i32>} : memref<24x768xf32, #tpu.memory_space<vmem>>, vector<16xf32>,
          tpu.vector_store %arg11[%parallel_loop3A_213, %parallel_loop3A_214], %parallel_loop3A_212 {strides = array<i32>} : memref<24x768xf32, #tpu.memory_space<vmem>>, vector<16xf32>,
        } {sc.loop_unroll_factor = 8 : i64, sc.parallel_access}
        %scan3A_200 = arith.constant 0 : i32
        scf.yield %scan3A_200 : i32
      }
      %scan3A_78 = arith.constant 48 : i32
      %dma_start3A_79 = arith.constant 0 : i32
      %dma_start3A_80 = arith.constant 0 : i32
      %dma_start3A_81 = tpu.memref_slice %arg7[%select_n3A, %sub3A, %dma_start3A_79, %dma_start3A_80] : memref<2x96x96x768xf32, #tpu.memory_space<hbm>> -> memref<1x1x24x768xf32, #tpu.memory_space<hbm>>
      %dma_start3A_82 = tpu.memref_squeeze %dma_start3A_81 : memref<1x1x24x768xf32, #tpu.memory_space<hbm>> -> memref<24x768xf32, #tpu.memory_space<hbm>>
      %dma_start3A_83 = arith.constant 0 : i32
      %dma_start3A_84 = arith.constant 0 : i32
      %dma_start3A_85 = tpu.memref_slice %arg7[%select_n3A, %sub3A, %dma_start3A_83, %dma_start3A_84] : memref<2x96x96x768xf32, #tpu.memory_space<hbm>> -> memref<1x1x24x768xf32, #tpu.memory_space<hbm>>
      %dma_start3A_86 = tpu.memref_squeeze %dma_start3A_85 : memref<1x1x24x768xf32, #tpu.memory_space<hbm>> -> memref<24x768xf32, #tpu.memory_space<hbm>>
      tpu.enqueue_dma source(%arg11 : memref<24x768xf32, #tpu.memory_space<vmem>>) target(%dma_start3A_86 : memref<24x768xf32, #tpu.memory_space<hbm>>) target_semaphore(%arg19 : memref<!tpu.dma_semaphore, #tpu.memory_space<semaphore_mem>>)
      %scan3A_87 = arith.constant 0 : i32
      %scan3A_88 = arith.constant 0 : i32
      %scan3A_89 = arith.constant 24 : i32
      %scan3A_90 = arith.addi %scan3A_88, %scan3A_89 : i32
      %scan3A_91 = arith.constant 1 : i32
      %scan3A_92 = scf.for %scan3A_186 = %scan3A_88 to %scan3A_90 step %scan3A_91 iter_args(%scan3A_187 = %scan3A_87) -> (i32)  : i32 {
        %add3A_188 = arith.constant 24 : i32
        %add3A_189 = arith.addi %add3A_188, %scan3A_186 : i32
        %mul3A_190 = arith.constant 43470 : i32
        %mul3A_191 = arith.muli %add3A_189, %mul3A_190 : i32
        %shift_right_arithmetic3A_192 = arith.constant 16 : i32
        %shift_right_arithmetic3A_193 = arith.shrsi %mul3A_191, %shift_right_arithmetic3A_192 : i32
        %add3A_194 = arith.constant 1 : i32
        %add3A_195 = arith.addi %shift_right_arithmetic3A_193, %add3A_194 : i32
        %min3A_196 = arith.constant 63 : i32
        %min3A_197 = arith.minsi %add3A_195, %min3A_196 : i32
        %mul3A_198 = arith.constant 16 : i32
        %mul3A_199 = arith.muli %add3A_189, %mul3A_198 : i32
        %get3A_200 = arith.index_cast %mul3A_199 : i32 to index
        %get3A_201 = tpu.vector_load %arg13[%get3A_200] {strides = array<i32>} : memref<1536xf32, #tpu.memory_space<vmem>>, vector<16xf32>,
        %sub3A_202 = vector.broadcast %scan3A : f32 to vector<16xf32>
        %sub3A_203 = arith.subf %sub3A_202, %get3A_201 : vector<16xf32>
        %mul3A_204 = arith.constant 512 : i32
        %mul3A_205 = arith.muli %scan3A_186, %mul3A_204 : i32
        %parallel_loop3A = arith.constant 0 : i32
        %parallel_loop3A_206 = arith.constant 32 : i32
        %parallel_loop3A_207 = arith.constant 1 : i32
        scf.for %parallel_loop3A_209 = %parallel_loop3A to %parallel_loop3A_206 step %parallel_loop3A_207  : i32 {
          %parallel_loop3A_210 = arith.constant 16 : i32
          %parallel_loop3A_211 = arith.muli %parallel_loop3A_209, %parallel_loop3A_210 : i32
          %parallel_loop3A_212 = arith.index_cast %shift_right_arithmetic3A_193 : i32 to index
          %parallel_loop3A_213 = arith.index_cast %parallel_loop3A_211 : i32 to index
          %parallel_loop3A_214 = tpu.vector_load %arg8[%parallel_loop3A_212, %parallel_loop3A_213] {strides = array<i32>} : memref<64x512xf32, #tpu.memory_space<vmem>>, vector<16xf32>,
          %parallel_loop3A_215 = arith.mulf %get3A_201, %parallel_loop3A_214 : vector<16xf32>
          %parallel_loop3A_216 = arith.index_cast %min3A_197 : i32 to index
          %parallel_loop3A_217 = arith.index_cast %parallel_loop3A_211 : i32 to index
          %parallel_loop3A_218 = tpu.vector_load %arg8[%parallel_loop3A_216, %parallel_loop3A_217] {strides = array<i32>} : memref<64x512xf32, #tpu.memory_space<vmem>>, vector<16xf32>,
          %parallel_loop3A_219 = arith.mulf %sub3A_203, %parallel_loop3A_218 : vector<16xf32>
          %parallel_loop3A_220 = arith.addf %parallel_loop3A_215, %parallel_loop3A_219 : vector<16xf32>
          %parallel_loop3A_221 = arith.constant 16 : i32
          %parallel_loop3A_222 = arith.muli %parallel_loop3A_209, %parallel_loop3A_221 : i32
          %parallel_loop3A_223 = arith.addi %mul3A_205, %parallel_loop3A_222 : i32
          %parallel_loop3A_224 = arith.index_cast %parallel_loop3A_223 : i32 to index
          %parallel_loop3A_225 = tpu.vector_load %arg10[%parallel_loop3A_224] {strides = array<i32>} : memref<12288xf32, #tpu.memory_space<vmem>>, vector<16xf32>,
          tpu.vector_store %arg10[%parallel_loop3A_224], %parallel_loop3A_220 {strides = array<i32>} : memref<12288xf32, #tpu.memory_space<vmem>>, vector<16xf32>,
        } {sc.loop_unroll_factor = 8 : i64, sc.parallel_access}
        %scan3A_208 = arith.constant 0 : i32
        scf.yield %scan3A_208 : i32
      }
      %scan3A_93 = arith.constant 24 : i32
      %scan3A_94 = arith.constant 0 : i32
      %scan3A_95 = arith.constant 0 : i32
      %scan3A_96 = arith.constant 48 : i32
      %scan3A_97 = arith.addi %scan3A_95, %scan3A_96 : i32
      %scan3A_98 = arith.constant 1 : i32
      %scan3A_99 = scf.for %scan3A_186 = %scan3A_95 to %scan3A_97 step %scan3A_98 iter_args(%scan3A_187 = %scan3A_94) -> (i32)  : i32 {
        %mul3A_188 = arith.constant 16 : i32
        %mul3A_189 = arith.muli %scan3A_186, %mul3A_188 : i32
        %get3A_190 = arith.index_cast %mul3A_189 : i32 to index
        %get3A_191 = tpu.vector_load %arg14[%get3A_190] {strides = array<i32>} : memref<768xi32, #tpu.memory_space<vmem>>, vector<16xi32>,
        %get3A_192 = arith.index_cast %mul3A_189 : i32 to index
        %get3A_193 = tpu.vector_load %arg15[%get3A_192] {strides = array<i32>} : memref<768xi32, #tpu.memory_space<vmem>>, vector<16xi32>,
        %get3A_194 = arith.index_cast %mul3A_189 : i32 to index
        %get3A_195 = tpu.vector_load %arg16[%get3A_194] {strides = array<i32>} : memref<768xf32, #tpu.memory_space<vmem>>, vector<16xf32>,
        %sub3A_196 = vector.broadcast %scan3A : f32 to vector<16xf32>
        %sub3A_197 = arith.subf %sub3A_196, %get3A_195 : vector<16xf32>
        %parallel_loop3A = arith.constant 0 : i32
        %parallel_loop3A_198 = arith.constant 24 : i32
        %parallel_loop3A_199 = arith.constant 1 : i32
        scf.for %parallel_loop3A_201 = %parallel_loop3A to %parallel_loop3A_198 step %parallel_loop3A_199  : i32 {
          %parallel_loop3A_202 = arith.constant 512 : i32
          %parallel_loop3A_203 = arith.muli %parallel_loop3A_201, %parallel_loop3A_202 : i32
          %parallel_loop3A_204 = vector.broadcast %parallel_loop3A_203 : i32 to vector<16xi32>
          %parallel_loop3A_205 = arith.addi %get3A_191, %parallel_loop3A_204 : vector<16xi32>
          %parallel_loop3A_206 = tpu.vector_load_idx %arg10[%parallel_loop3A_205] : memref<12288xf32, #tpu.memory_space<vmem>>[vector<16xi32>], vector<16xf32>,
          %parallel_loop3A_207 = vector.broadcast %parallel_loop3A_203 : i32 to vector<16xi32>
          %parallel_loop3A_208 = arith.addi %get3A_193, %parallel_loop3A_207 : vector<16xi32>
          %parallel_loop3A_209 = tpu.vector_load_idx %arg10[%parallel_loop3A_208] : memref<12288xf32, #tpu.memory_space<vmem>>[vector<16xi32>], vector<16xf32>,
          %parallel_loop3A_210 = arith.mulf %get3A_195, %parallel_loop3A_206 : vector<16xf32>
          %parallel_loop3A_211 = arith.mulf %sub3A_197, %parallel_loop3A_209 : vector<16xf32>
          %parallel_loop3A_212 = arith.addf %parallel_loop3A_210, %parallel_loop3A_211 : vector<16xf32>
          %parallel_loop3A_213 = arith.index_cast %parallel_loop3A_201 : i32 to index
          %parallel_loop3A_214 = arith.index_cast %mul3A_189 : i32 to index
          %parallel_loop3A_215 = tpu.vector_load %arg12[%parallel_loop3A_213, %parallel_loop3A_214] {strides = array<i32>} : memref<24x768xf32, #tpu.memory_space<vmem>>, vector<16xf32>,
          tpu.vector_store %arg12[%parallel_loop3A_213, %parallel_loop3A_214], %parallel_loop3A_212 {strides = array<i32>} : memref<24x768xf32, #tpu.memory_space<vmem>>, vector<16xf32>,
        } {sc.loop_unroll_factor = 8 : i64, sc.parallel_access}
        %scan3A_200 = arith.constant 0 : i32
        scf.yield %scan3A_200 : i32
      }
      %scan3A_100 = arith.constant 48 : i32
      %dma_start3A_101 = arith.constant 24 : i32
      %dma_start3A_102 = arith.constant 0 : i32
      %dma_start3A_103 = tpu.memref_slice %arg7[%select_n3A, %sub3A, %dma_start3A_101, %dma_start3A_102] : memref<2x96x96x768xf32, #tpu.memory_space<hbm>> -> memref<1x1x24x768xf32, #tpu.memory_space<hbm>>
      %dma_start3A_104 = tpu.memref_squeeze %dma_start3A_103 : memref<1x1x24x768xf32, #tpu.memory_space<hbm>> -> memref<24x768xf32, #tpu.memory_space<hbm>>
      %dma_start3A_105 = arith.constant 24 : i32
      %dma_start3A_106 = arith.constant 0 : i32
      %dma_start3A_107 = tpu.memref_slice %arg7[%select_n3A, %sub3A, %dma_start3A_105, %dma_start3A_106] : memref<2x96x96x768xf32, #tpu.memory_space<hbm>> -> memref<1x1x24x768xf32, #tpu.memory_space<hbm>>
      %dma_start3A_108 = tpu.memref_squeeze %dma_start3A_107 : memref<1x1x24x768xf32, #tpu.memory_space<hbm>> -> memref<24x768xf32, #tpu.memory_space<hbm>>
      tpu.enqueue_dma source(%arg12 : memref<24x768xf32, #tpu.memory_space<vmem>>) target(%dma_start3A_108 : memref<24x768xf32, #tpu.memory_space<hbm>>) target_semaphore(%arg20 : memref<!tpu.dma_semaphore, #tpu.memory_space<semaphore_mem>>)
      %dma_wait3A_109 = arith.constant 0 : i32
      %dma_wait3A_110 = arith.constant 0 : i32
      %dma_wait3A_111 = tpu.memref_slice %arg7[%select_n3A, %sub3A, %dma_wait3A_109, %dma_wait3A_110] : memref<2x96x96x768xf32, #tpu.memory_space<hbm>> -> memref<1x1x24x768xf32, #tpu.memory_space<hbm>>
      %dma_wait3A_112 = tpu.memref_squeeze %dma_wait3A_111 : memref<1x1x24x768xf32, #tpu.memory_space<hbm>> -> memref<24x768xf32, #tpu.memory_space<hbm>>
      %dma_wait3A_113 = arith.constant 0 : i32
      %dma_wait3A_114 = arith.constant 0 : i32
      %dma_wait3A_115 = tpu.memref_slice %arg7[%select_n3A, %sub3A, %dma_wait3A_113, %dma_wait3A_114] : memref<2x96x96x768xf32, #tpu.memory_space<hbm>> -> memref<1x1x24x768xf32, #tpu.memory_space<hbm>>
      %dma_wait3A_116 = tpu.memref_squeeze %dma_wait3A_115 : memref<1x1x24x768xf32, #tpu.memory_space<hbm>> -> memref<24x768xf32, #tpu.memory_space<hbm>>
      tpu.wait_dma2 semaphore(%arg19 : memref<!tpu.dma_semaphore, #tpu.memory_space<semaphore_mem>>) src(%arg11 : memref<24x768xf32, #tpu.memory_space<vmem>>) dst(%dma_wait3A_116 : memref<24x768xf32, #tpu.memory_space<hbm>>)
      %scan3A_117 = arith.constant 0 : i32
      %scan3A_118 = arith.constant 0 : i32
      %scan3A_119 = arith.constant 24 : i32
      %scan3A_120 = arith.addi %scan3A_118, %scan3A_119 : i32
      %scan3A_121 = arith.constant 1 : i32
      %scan3A_122 = scf.for %scan3A_186 = %scan3A_118 to %scan3A_120 step %scan3A_121 iter_args(%scan3A_187 = %scan3A_117) -> (i32)  : i32 {
        %add3A_188 = arith.constant 48 : i32
        %add3A_189 = arith.addi %add3A_188, %scan3A_186 : i32
        %mul3A_190 = arith.constant 43470 : i32
        %mul3A_191 = arith.muli %add3A_189, %mul3A_190 : i32
        %shift_right_arithmetic3A_192 = arith.constant 16 : i32
        %shift_right_arithmetic3A_193 = arith.shrsi %mul3A_191, %shift_right_arithmetic3A_192 : i32
        %add3A_194 = arith.constant 1 : i32
        %add3A_195 = arith.addi %shift_right_arithmetic3A_193, %add3A_194 : i32
        %min3A_196 = arith.constant 63 : i32
        %min3A_197 = arith.minsi %add3A_195, %min3A_196 : i32
        %mul3A_198 = arith.constant 16 : i32
        %mul3A_199 = arith.muli %add3A_189, %mul3A_198 : i32
        %get3A_200 = arith.index_cast %mul3A_199 : i32 to index
        %get3A_201 = tpu.vector_load %arg13[%get3A_200] {strides = array<i32>} : memref<1536xf32, #tpu.memory_space<vmem>>, vector<16xf32>,
        %sub3A_202 = vector.broadcast %scan3A : f32 to vector<16xf32>
        %sub3A_203 = arith.subf %sub3A_202, %get3A_201 : vector<16xf32>
        %mul3A_204 = arith.constant 512 : i32
        %mul3A_205 = arith.muli %scan3A_186, %mul3A_204 : i32
        %parallel_loop3A = arith.constant 0 : i32
        %parallel_loop3A_206 = arith.constant 32 : i32
        %parallel_loop3A_207 = arith.constant 1 : i32
        scf.for %parallel_loop3A_209 = %parallel_loop3A to %parallel_loop3A_206 step %parallel_loop3A_207  : i32 {
          %parallel_loop3A_210 = arith.constant 16 : i32
          %parallel_loop3A_211 = arith.muli %parallel_loop3A_209, %parallel_loop3A_210 : i32
          %parallel_loop3A_212 = arith.index_cast %shift_right_arithmetic3A_193 : i32 to index
          %parallel_loop3A_213 = arith.index_cast %parallel_loop3A_211 : i32 to index
          %parallel_loop3A_214 = tpu.vector_load %arg8[%parallel_loop3A_212, %parallel_loop3A_213] {strides = array<i32>} : memref<64x512xf32, #tpu.memory_space<vmem>>, vector<16xf32>,
          %parallel_loop3A_215 = arith.mulf %get3A_201, %parallel_loop3A_214 : vector<16xf32>
          %parallel_loop3A_216 = arith.index_cast %min3A_197 : i32 to index
          %parallel_loop3A_217 = arith.index_cast %parallel_loop3A_211 : i32 to index
          %parallel_loop3A_218 = tpu.vector_load %arg8[%parallel_loop3A_216, %parallel_loop3A_217] {strides = array<i32>} : memref<64x512xf32, #tpu.memory_space<vmem>>, vector<16xf32>,
          %parallel_loop3A_219 = arith.mulf %sub3A_203, %parallel_loop3A_218 : vector<16xf32>
          %parallel_loop3A_220 = arith.addf %parallel_loop3A_215, %parallel_loop3A_219 : vector<16xf32>
          %parallel_loop3A_221 = arith.constant 16 : i32
          %parallel_loop3A_222 = arith.muli %parallel_loop3A_209, %parallel_loop3A_221 : i32
          %parallel_loop3A_223 = arith.addi %mul3A_205, %parallel_loop3A_222 : i32
          %parallel_loop3A_224 = arith.index_cast %parallel_loop3A_223 : i32 to index
          %parallel_loop3A_225 = tpu.vector_load %arg10[%parallel_loop3A_224] {strides = array<i32>} : memref<12288xf32, #tpu.memory_space<vmem>>, vector<16xf32>,
          tpu.vector_store %arg10[%parallel_loop3A_224], %parallel_loop3A_220 {strides = array<i32>} : memref<12288xf32, #tpu.memory_space<vmem>>, vector<16xf32>,
        } {sc.loop_unroll_factor = 8 : i64, sc.parallel_access}
        %scan3A_208 = arith.constant 0 : i32
        scf.yield %scan3A_208 : i32
      }
      %scan3A_123 = arith.constant 24 : i32
      %scan3A_124 = arith.constant 0 : i32
      %scan3A_125 = arith.constant 0 : i32
      %scan3A_126 = arith.constant 48 : i32
      %scan3A_127 = arith.addi %scan3A_125, %scan3A_126 : i32
      %scan3A_128 = arith.constant 1 : i32
      %scan3A_129 = scf.for %scan3A_186 = %scan3A_125 to %scan3A_127 step %scan3A_128 iter_args(%scan3A_187 = %scan3A_124) -> (i32)  : i32 {
        %mul3A_188 = arith.constant 16 : i32
        %mul3A_189 = arith.muli %scan3A_186, %mul3A_188 : i32
        %get3A_190 = arith.index_cast %mul3A_189 : i32 to index
        %get3A_191 = tpu.vector_load %arg14[%get3A_190] {strides = array<i32>} : memref<768xi32, #tpu.memory_space<vmem>>, vector<16xi32>,
        %get3A_192 = arith.index_cast %mul3A_189 : i32 to index
        %get3A_193 = tpu.vector_load %arg15[%get3A_192] {strides = array<i32>} : memref<768xi32, #tpu.memory_space<vmem>>, vector<16xi32>,
        %get3A_194 = arith.index_cast %mul3A_189 : i32 to index
        %get3A_195 = tpu.vector_load %arg16[%get3A_194] {strides = array<i32>} : memref<768xf32, #tpu.memory_space<vmem>>, vector<16xf32>,
        %sub3A_196 = vector.broadcast %scan3A : f32 to vector<16xf32>
        %sub3A_197 = arith.subf %sub3A_196, %get3A_195 : vector<16xf32>
        %parallel_loop3A = arith.constant 0 : i32
        %parallel_loop3A_198 = arith.constant 24 : i32
        %parallel_loop3A_199 = arith.constant 1 : i32
        scf.for %parallel_loop3A_201 = %parallel_loop3A to %parallel_loop3A_198 step %parallel_loop3A_199  : i32 {
          %parallel_loop3A_202 = arith.constant 512 : i32
          %parallel_loop3A_203 = arith.muli %parallel_loop3A_201, %parallel_loop3A_202 : i32
          %parallel_loop3A_204 = vector.broadcast %parallel_loop3A_203 : i32 to vector<16xi32>
          %parallel_loop3A_205 = arith.addi %get3A_191, %parallel_loop3A_204 : vector<16xi32>
          %parallel_loop3A_206 = tpu.vector_load_idx %arg10[%parallel_loop3A_205] : memref<12288xf32, #tpu.memory_space<vmem>>[vector<16xi32>], vector<16xf32>,
          %parallel_loop3A_207 = vector.broadcast %parallel_loop3A_203 : i32 to vector<16xi32>
          %parallel_loop3A_208 = arith.addi %get3A_193, %parallel_loop3A_207 : vector<16xi32>
          %parallel_loop3A_209 = tpu.vector_load_idx %arg10[%parallel_loop3A_208] : memref<12288xf32, #tpu.memory_space<vmem>>[vector<16xi32>], vector<16xf32>,
          %parallel_loop3A_210 = arith.mulf %get3A_195, %parallel_loop3A_206 : vector<16xf32>
          %parallel_loop3A_211 = arith.mulf %sub3A_197, %parallel_loop3A_209 : vector<16xf32>
          %parallel_loop3A_212 = arith.addf %parallel_loop3A_210, %parallel_loop3A_211 : vector<16xf32>
          %parallel_loop3A_213 = arith.index_cast %parallel_loop3A_201 : i32 to index
          %parallel_loop3A_214 = arith.index_cast %mul3A_189 : i32 to index
          %parallel_loop3A_215 = tpu.vector_load %arg11[%parallel_loop3A_213, %parallel_loop3A_214] {strides = array<i32>} : memref<24x768xf32, #tpu.memory_space<vmem>>, vector<16xf32>,
          tpu.vector_store %arg11[%parallel_loop3A_213, %parallel_loop3A_214], %parallel_loop3A_212 {strides = array<i32>} : memref<24x768xf32, #tpu.memory_space<vmem>>, vector<16xf32>,
        } {sc.loop_unroll_factor = 8 : i64, sc.parallel_access}
        %scan3A_200 = arith.constant 0 : i32
        scf.yield %scan3A_200 : i32
      }
      %scan3A_130 = arith.constant 48 : i32
      %dma_start3A_131 = arith.constant 48 : i32
      %dma_start3A_132 = arith.constant 0 : i32
      %dma_start3A_133 = tpu.memref_slice %arg7[%select_n3A, %sub3A, %dma_start3A_131, %dma_start3A_132] : memref<2x96x96x768xf32, #tpu.memory_space<hbm>> -> memref<1x1x24x768xf32, #tpu.memory_space<hbm>>
      %dma_start3A_134 = tpu.memref_squeeze %dma_start3A_133 : memref<1x1x24x768xf32, #tpu.memory_space<hbm>> -> memref<24x768xf32, #tpu.memory_space<hbm>>
      %dma_start3A_135 = arith.constant 48 : i32
      %dma_start3A_136 = arith.constant 0 : i32
      %dma_start3A_137 = tpu.memref_slice %arg7[%select_n3A, %sub3A, %dma_start3A_135, %dma_start3A_136] : memref<2x96x96x768xf32, #tpu.memory_space<hbm>> -> memref<1x1x24x768xf32, #tpu.memory_space<hbm>>
      %dma_start3A_138 = tpu.memref_squeeze %dma_start3A_137 : memref<1x1x24x768xf32, #tpu.memory_space<hbm>> -> memref<24x768xf32, #tpu.memory_space<hbm>>
      tpu.enqueue_dma source(%arg11 : memref<24x768xf32, #tpu.memory_space<vmem>>) target(%dma_start3A_138 : memref<24x768xf32, #tpu.memory_space<hbm>>) target_semaphore(%arg19 : memref<!tpu.dma_semaphore, #tpu.memory_space<semaphore_mem>>)
      %dma_wait3A_139 = arith.constant 24 : i32
      %dma_wait3A_140 = arith.constant 0 : i32
      %dma_wait3A_141 = tpu.memref_slice %arg7[%select_n3A, %sub3A, %dma_wait3A_139, %dma_wait3A_140] : memref<2x96x96x768xf32, #tpu.memory_space<hbm>> -> memref<1x1x24x768xf32, #tpu.memory_space<hbm>>
      %dma_wait3A_142 = tpu.memref_squeeze %dma_wait3A_141 : memref<1x1x24x768xf32, #tpu.memory_space<hbm>> -> memref<24x768xf32, #tpu.memory_space<hbm>>
      %dma_wait3A_143 = arith.constant 24 : i32
      %dma_wait3A_144 = arith.constant 0 : i32
      %dma_wait3A_145 = tpu.memref_slice %arg7[%select_n3A, %sub3A, %dma_wait3A_143, %dma_wait3A_144] : memref<2x96x96x768xf32, #tpu.memory_space<hbm>> -> memref<1x1x24x768xf32, #tpu.memory_space<hbm>>
      %dma_wait3A_146 = tpu.memref_squeeze %dma_wait3A_145 : memref<1x1x24x768xf32, #tpu.memory_space<hbm>> -> memref<24x768xf32, #tpu.memory_space<hbm>>
      tpu.wait_dma2 semaphore(%arg20 : memref<!tpu.dma_semaphore, #tpu.memory_space<semaphore_mem>>) src(%arg12 : memref<24x768xf32, #tpu.memory_space<vmem>>) dst(%dma_wait3A_146 : memref<24x768xf32, #tpu.memory_space<hbm>>)
      %scan3A_147 = arith.constant 0 : i32
      %scan3A_148 = arith.constant 0 : i32
      %scan3A_149 = arith.constant 24 : i32
      %scan3A_150 = arith.addi %scan3A_148, %scan3A_149 : i32
      %scan3A_151 = arith.constant 1 : i32
      %scan3A_152 = scf.for %scan3A_186 = %scan3A_148 to %scan3A_150 step %scan3A_151 iter_args(%scan3A_187 = %scan3A_147) -> (i32)  : i32 {
        %add3A_188 = arith.constant 72 : i32
        %add3A_189 = arith.addi %add3A_188, %scan3A_186 : i32
        %mul3A_190 = arith.constant 43470 : i32
        %mul3A_191 = arith.muli %add3A_189, %mul3A_190 : i32
        %shift_right_arithmetic3A_192 = arith.constant 16 : i32
        %shift_right_arithmetic3A_193 = arith.shrsi %mul3A_191, %shift_right_arithmetic3A_192 : i32
        %add3A_194 = arith.constant 1 : i32
        %add3A_195 = arith.addi %shift_right_arithmetic3A_193, %add3A_194 : i32
        %min3A_196 = arith.constant 63 : i32
        %min3A_197 = arith.minsi %add3A_195, %min3A_196 : i32
        %mul3A_198 = arith.constant 16 : i32
        %mul3A_199 = arith.muli %add3A_189, %mul3A_198 : i32
        %get3A_200 = arith.index_cast %mul3A_199 : i32 to index
        %get3A_201 = tpu.vector_load %arg13[%get3A_200] {strides = array<i32>} : memref<1536xf32, #tpu.memory_space<vmem>>, vector<16xf32>,
        %sub3A_202 = vector.broadcast %scan3A : f32 to vector<16xf32>
        %sub3A_203 = arith.subf %sub3A_202, %get3A_201 : vector<16xf32>
        %mul3A_204 = arith.constant 512 : i32
        %mul3A_205 = arith.muli %scan3A_186, %mul3A_204 : i32
        %parallel_loop3A = arith.constant 0 : i32
        %parallel_loop3A_206 = arith.constant 32 : i32
        %parallel_loop3A_207 = arith.constant 1 : i32
        scf.for %parallel_loop3A_209 = %parallel_loop3A to %parallel_loop3A_206 step %parallel_loop3A_207  : i32 {
          %parallel_loop3A_210 = arith.constant 16 : i32
          %parallel_loop3A_211 = arith.muli %parallel_loop3A_209, %parallel_loop3A_210 : i32
          %parallel_loop3A_212 = arith.index_cast %shift_right_arithmetic3A_193 : i32 to index
          %parallel_loop3A_213 = arith.index_cast %parallel_loop3A_211 : i32 to index
          %parallel_loop3A_214 = tpu.vector_load %arg8[%parallel_loop3A_212, %parallel_loop3A_213] {strides = array<i32>} : memref<64x512xf32, #tpu.memory_space<vmem>>, vector<16xf32>,
          %parallel_loop3A_215 = arith.mulf %get3A_201, %parallel_loop3A_214 : vector<16xf32>
          %parallel_loop3A_216 = arith.index_cast %min3A_197 : i32 to index
          %parallel_loop3A_217 = arith.index_cast %parallel_loop3A_211 : i32 to index
          %parallel_loop3A_218 = tpu.vector_load %arg8[%parallel_loop3A_216, %parallel_loop3A_217] {strides = array<i32>} : memref<64x512xf32, #tpu.memory_space<vmem>>, vector<16xf32>,
          %parallel_loop3A_219 = arith.mulf %sub3A_203, %parallel_loop3A_218 : vector<16xf32>
          %parallel_loop3A_220 = arith.addf %parallel_loop3A_215, %parallel_loop3A_219 : vector<16xf32>
          %parallel_loop3A_221 = arith.constant 16 : i32
          %parallel_loop3A_222 = arith.muli %parallel_loop3A_209, %parallel_loop3A_221 : i32
          %parallel_loop3A_223 = arith.addi %mul3A_205, %parallel_loop3A_222 : i32
          %parallel_loop3A_224 = arith.index_cast %parallel_loop3A_223 : i32 to index
          %parallel_loop3A_225 = tpu.vector_load %arg10[%parallel_loop3A_224] {strides = array<i32>} : memref<12288xf32, #tpu.memory_space<vmem>>, vector<16xf32>,
          tpu.vector_store %arg10[%parallel_loop3A_224], %parallel_loop3A_220 {strides = array<i32>} : memref<12288xf32, #tpu.memory_space<vmem>>, vector<16xf32>,
        } {sc.loop_unroll_factor = 8 : i64, sc.parallel_access}
        %scan3A_208 = arith.constant 0 : i32
        scf.yield %scan3A_208 : i32
      }
      %scan3A_153 = arith.constant 24 : i32
      %scan3A_154 = arith.constant 0 : i32
      %scan3A_155 = arith.constant 0 : i32
      %scan3A_156 = arith.constant 48 : i32
      %scan3A_157 = arith.addi %scan3A_155, %scan3A_156 : i32
      %scan3A_158 = arith.constant 1 : i32
      %scan3A_159 = scf.for %scan3A_186 = %scan3A_155 to %scan3A_157 step %scan3A_158 iter_args(%scan3A_187 = %scan3A_154) -> (i32)  : i32 {
        %mul3A_188 = arith.constant 16 : i32
        %mul3A_189 = arith.muli %scan3A_186, %mul3A_188 : i32
        %get3A_190 = arith.index_cast %mul3A_189 : i32 to index
        %get3A_191 = tpu.vector_load %arg14[%get3A_190] {strides = array<i32>} : memref<768xi32, #tpu.memory_space<vmem>>, vector<16xi32>,
        %get3A_192 = arith.index_cast %mul3A_189 : i32 to index
        %get3A_193 = tpu.vector_load %arg15[%get3A_192] {strides = array<i32>} : memref<768xi32, #tpu.memory_space<vmem>>, vector<16xi32>,
        %get3A_194 = arith.index_cast %mul3A_189 : i32 to index
        %get3A_195 = tpu.vector_load %arg16[%get3A_194] {strides = array<i32>} : memref<768xf32, #tpu.memory_space<vmem>>, vector<16xf32>,
        %sub3A_196 = vector.broadcast %scan3A : f32 to vector<16xf32>
        %sub3A_197 = arith.subf %sub3A_196, %get3A_195 : vector<16xf32>
        %parallel_loop3A = arith.constant 0 : i32
        %parallel_loop3A_198 = arith.constant 24 : i32
        %parallel_loop3A_199 = arith.constant 1 : i32
        scf.for %parallel_loop3A_201 = %parallel_loop3A to %parallel_loop3A_198 step %parallel_loop3A_199  : i32 {
          %parallel_loop3A_202 = arith.constant 512 : i32
          %parallel_loop3A_203 = arith.muli %parallel_loop3A_201, %parallel_loop3A_202 : i32
          %parallel_loop3A_204 = vector.broadcast %parallel_loop3A_203 : i32 to vector<16xi32>
          %parallel_loop3A_205 = arith.addi %get3A_191, %parallel_loop3A_204 : vector<16xi32>
          %parallel_loop3A_206 = tpu.vector_load_idx %arg10[%parallel_loop3A_205] : memref<12288xf32, #tpu.memory_space<vmem>>[vector<16xi32>], vector<16xf32>,
          %parallel_loop3A_207 = vector.broadcast %parallel_loop3A_203 : i32 to vector<16xi32>
          %parallel_loop3A_208 = arith.addi %get3A_193, %parallel_loop3A_207 : vector<16xi32>
          %parallel_loop3A_209 = tpu.vector_load_idx %arg10[%parallel_loop3A_208] : memref<12288xf32, #tpu.memory_space<vmem>>[vector<16xi32>], vector<16xf32>,
          %parallel_loop3A_210 = arith.mulf %get3A_195, %parallel_loop3A_206 : vector<16xf32>
          %parallel_loop3A_211 = arith.mulf %sub3A_197, %parallel_loop3A_209 : vector<16xf32>
          %parallel_loop3A_212 = arith.addf %parallel_loop3A_210, %parallel_loop3A_211 : vector<16xf32>
          %parallel_loop3A_213 = arith.index_cast %parallel_loop3A_201 : i32 to index
          %parallel_loop3A_214 = arith.index_cast %mul3A_189 : i32 to index
          %parallel_loop3A_215 = tpu.vector_load %arg12[%parallel_loop3A_213, %parallel_loop3A_214] {strides = array<i32>} : memref<24x768xf32, #tpu.memory_space<vmem>>, vector<16xf32>,
          tpu.vector_store %arg12[%parallel_loop3A_213, %parallel_loop3A_214], %parallel_loop3A_212 {strides = array<i32>} : memref<24x768xf32, #tpu.memory_space<vmem>>, vector<16xf32>,
        } {sc.loop_unroll_factor = 8 : i64, sc.parallel_access}
        %scan3A_200 = arith.constant 0 : i32
        scf.yield %scan3A_200 : i32
      }
      %scan3A_160 = arith.constant 48 : i32
      %dma_start3A_161 = arith.constant 72 : i32
      %dma_start3A_162 = arith.constant 0 : i32
      %dma_start3A_163 = tpu.memref_slice %arg7[%select_n3A, %sub3A, %dma_start3A_161, %dma_start3A_162] : memref<2x96x96x768xf32, #tpu.memory_space<hbm>> -> memref<1x1x24x768xf32, #tpu.memory_space<hbm>>
      %dma_start3A_164 = tpu.memref_squeeze %dma_start3A_163 : memref<1x1x24x768xf32, #tpu.memory_space<hbm>> -> memref<24x768xf32, #tpu.memory_space<hbm>>
      %dma_start3A_165 = arith.constant 72 : i32
      %dma_start3A_166 = arith.constant 0 : i32
      %dma_start3A_167 = tpu.memref_slice %arg7[%select_n3A, %sub3A, %dma_start3A_165, %dma_start3A_166] : memref<2x96x96x768xf32, #tpu.memory_space<hbm>> -> memref<1x1x24x768xf32, #tpu.memory_space<hbm>>
      %dma_start3A_168 = tpu.memref_squeeze %dma_start3A_167 : memref<1x1x24x768xf32, #tpu.memory_space<hbm>> -> memref<24x768xf32, #tpu.memory_space<hbm>>
      tpu.enqueue_dma source(%arg12 : memref<24x768xf32, #tpu.memory_space<vmem>>) target(%dma_start3A_168 : memref<24x768xf32, #tpu.memory_space<hbm>>) target_semaphore(%arg20 : memref<!tpu.dma_semaphore, #tpu.memory_space<semaphore_mem>>)
      %dma_wait3A_169 = arith.constant 48 : i32
      %dma_wait3A_170 = arith.constant 0 : i32
      %dma_wait3A_171 = tpu.memref_slice %arg7[%select_n3A, %sub3A, %dma_wait3A_169, %dma_wait3A_170] : memref<2x96x96x768xf32, #tpu.memory_space<hbm>> -> memref<1x1x24x768xf32, #tpu.memory_space<hbm>>
      %dma_wait3A_172 = tpu.memref_squeeze %dma_wait3A_171 : memref<1x1x24x768xf32, #tpu.memory_space<hbm>> -> memref<24x768xf32, #tpu.memory_space<hbm>>
      %dma_wait3A_173 = arith.constant 48 : i32
      %dma_wait3A_174 = arith.constant 0 : i32
      %dma_wait3A_175 = tpu.memref_slice %arg7[%select_n3A, %sub3A, %dma_wait3A_173, %dma_wait3A_174] : memref<2x96x96x768xf32, #tpu.memory_space<hbm>> -> memref<1x1x24x768xf32, #tpu.memory_space<hbm>>
      %dma_wait3A_176 = tpu.memref_squeeze %dma_wait3A_175 : memref<1x1x24x768xf32, #tpu.memory_space<hbm>> -> memref<24x768xf32, #tpu.memory_space<hbm>>
      tpu.wait_dma2 semaphore(%arg19 : memref<!tpu.dma_semaphore, #tpu.memory_space<semaphore_mem>>) src(%arg11 : memref<24x768xf32, #tpu.memory_space<vmem>>) dst(%dma_wait3A_176 : memref<24x768xf32, #tpu.memory_space<hbm>>)
      %dma_wait3A_177 = arith.constant 72 : i32
      %dma_wait3A_178 = arith.constant 0 : i32
      %dma_wait3A_179 = tpu.memref_slice %arg7[%select_n3A, %sub3A, %dma_wait3A_177, %dma_wait3A_178] : memref<2x96x96x768xf32, #tpu.memory_space<hbm>> -> memref<1x1x24x768xf32, #tpu.memory_space<hbm>>
      %dma_wait3A_180 = tpu.memref_squeeze %dma_wait3A_179 : memref<1x1x24x768xf32, #tpu.memory_space<hbm>> -> memref<24x768xf32, #tpu.memory_space<hbm>>
      %dma_wait3A_181 = arith.constant 72 : i32
      %dma_wait3A_182 = arith.constant 0 : i32
      %dma_wait3A_183 = tpu.memref_slice %arg7[%select_n3A, %sub3A, %dma_wait3A_181, %dma_wait3A_182] : memref<2x96x96x768xf32, #tpu.memory_space<hbm>> -> memref<1x1x24x768xf32, #tpu.memory_space<hbm>>
      %dma_wait3A_184 = tpu.memref_squeeze %dma_wait3A_183 : memref<1x1x24x768xf32, #tpu.memory_space<hbm>> -> memref<24x768xf32, #tpu.memory_space<hbm>>
      tpu.wait_dma2 semaphore(%arg20 : memref<!tpu.dma_semaphore, #tpu.memory_space<semaphore_mem>>) src(%arg12 : memref<24x768xf32, #tpu.memory_space<vmem>>) dst(%dma_wait3A_184 : memref<24x768xf32, #tpu.memory_space<hbm>>)
      %scan3A_185 = arith.constant 0 : i32
      scf.yield %scan3A_185 : i32
    }
    %scan3A_7 = arith.constant 6 : i32
    return
  }
}

</mosaic_0001>

<sc_bundles>
// kernel: kernel.3.cloned.1.call-start
scs
__scs_entry_jumppad:
0x0: {  	(pc) =	sbr.rel $0x88, $3  }
0x1: {  	(tag) =	ssettag $0x0;
	lr =	simm.s32 $0x1  }
0x2: {  	[smem:$0x3FA0] =	sst lr;
	_ =	strace $0xD0000000  }
0x3: {  	_ = 	snop  }
0x4: {  	_ = 	snop  }
0x5: {  	_ = 	snop  }
0x6: {  	_ = 	snop  }
0x7: {  	_ = 	snop  }
__scs_overlays_trampoline_lowered:
0x8: {  	[smem:$0x3FAF] =	sst s0  }
0x9: {  	[smem:$0x3FB0] =	sst s1  }
0xa: {  	[smem:$0x3FB1] =	sst s2  }
0xb: {  	[smem:$0x3FB2] =	sst s3  }
0xc: {  	[smem:$0x3FB3] =	sst s4  }
0xd: {  	[smem:$0x3FB4] =	sst s5  }
0xe: {  	[smem:$0x3FB5] =	sst s6  }
0xf: {  	[smem:$0x3FB6] =	sst s7  }
0x10: {  	[smem:$0x3FB7] =	sst s8  }
0x11: {  	[smem:$0x3FB8] =	sst s9;
	s0 =	simm.s32 @!p0 $0x0  }
0x12: {  	s1 =	sld [smem:$0x3F9E];
	s0 =	simm.s32 @p0 $0x1  }
0x13: {  	[smem:$0x3FB9] =	sst s0;
	s0 =	simm.s32 @!p1 $0x0  }
0x14: {  	s2 =	sld [smem:$0x3F9D];
	s0 =	simm.s32 @p1 $0x1  }
0x15: {  	[smem:$0x3FBA] =	sst s0;
	s0 =	simm.s32 @!p2 $0x0  }
0x16: {  	s3 =	sld [smem:$0x3FDB];
	s0 =	simm.s32 @p2 $0x1  }
0x17: {  	s4 =	simm.s32 $0x1BF5;
	[smem:$0x3FBC] =	sst s0  }
0x18: {  	s0 =	sld [smem:$0x3F9F];
	_ =	swait.ge [sflag:s4], $0x0  }
0x19: {  	s7 =	sld [smem:$0x3FA0]  }
0x1a: {  	s8 =	sadd.s32 $0xFFFFE003, lr  }
0x1b: {  	s9 =	sadd.s32 $0xFFFFFEF7, lr;
	s5 =	simm.s32 $0xFFFFFFFF;
	p2 =	slt.u32 s8, $0xFFFFF086  }
0x1c: {  	p1 =	slt.u32 s9, $0xF7A;
	s5 =	simm.s32 @!p2 $0x0  }
0x1d: {  	s5 =	simm.s32 @p1 $0x1;
	p0 =	seq.s32 s7, s2  }
0x1e: {  	s7 =	smul.u32 @!p0 $0xF7A, s2;
	p2 =	seq.s32 @!p0 s5, $0x0  }
0x1f: {  	s9 =	smul.u32 $0xF7A, s1;
	s8 =	simm.s32 @!p0 $0x1BF5;
	p2 =	por !p2, p0  }
0x20: {  	[sflag:s8] =	ssyncset.s32 @!p0 $0xFFFFF086;
	s6 =	sadd.s32 @!p0 s3, s7;
	s7 =	simm.s32 @!p0 $0x108  }
0x21: {  	s3 =	sadd.s32 s3, s9;
	s6 =	sadd.s32 @!p0 $0x88, s6;
	s7 =	simm.s32 @p2 $0x1082  }
0x22: {  	[simem:s7], [sflag:s8] =	dma.local @!p0 [hbm:s6], $0xF7A  }
0x23: {  	s9 =	sor.u32 $0xD0000000, s2;
	s6 =	simm.s32 $0x108;
	_ =	swait.ge @!p0 [sflag:s8], $0x0  }
0x24: {  	s3 =	sadd.s32 $0x88, s3;
	s6 =	simm.s32 @!p1 $0x1082;
	[sflag:s4] =	ssyncset.s32 $0xFFFFF086  }
0x25: {  	[simem:s6], [sflag:s4] =	dma.local [hbm:s3], $0xF7A  }
0x26: {  	[smem:$0x3FA0] =	sst s1;
	(tag) =	ssettag s2;
	_ =	strace s9  }
0x27: {  	s1 =	sld [smem:$0x3FB0]  }
0x28: {  	s2 =	sld [smem:$0x3FB1]  }
0x29: {  	s4 =	sld [smem:$0x3FB3]  }
0x2a: {  	p0 =	seq.s32 s5, $0x0;
	s5 =	sld [smem:$0x3FB4]  }
0x2b: {  	s6 =	sld [smem:$0x3FB5]  }
0x2c: {  	s7 =	sld [smem:$0x3FB6]  }
0x2d: {  	s3 =	simm.s32 $0x108;
	s8 =	sld [smem:$0x3FB7]  }
0x2e: {  	s3 =	simm.s32 @!p0 $0x1082;
	s9 =	sld [smem:$0x3FB8]  }
0x2f: {  	lr =	sadd.s32 s0, s3;
	s0 =	sld [smem:$0x3FAF]  }
0x30: {  	s3 =	sld [smem:$0x3FB2]  }
0x31: {  	[smem:$0x3FBB] =	sst s10  }
0x32: {  	s10 =	sld [smem:$0x3FB9];
	_ =	sdelay $0x3  }
0x33: {  	p0 =	seq.s32 s10, $0x1;
	s10 =	sld [smem:$0x3FBB];
	_ =	sdelay $0x3  }
0x34: {  	[smem:$0x3FBB] =	sst s10  }
0x35: {  	s10 =	sld [smem:$0x3FBA];
	_ =	sdelay $0x3  }
0x36: {  	p1 =	seq.s32 s10, $0x1;
	s10 =	sld [smem:$0x3FBB];
	_ =	sdelay $0x3  }
0x37: {  	[smem:$0x3FBB] =	sst s10  }
0x38: {  	s10 =	sld [smem:$0x3FBC]  }
0x39: {  	_ = 	snop;
	(pc) =	sbr.ind lr, $3  }
0x3a: {  	_ = 	snop  }
0x3b: {  	_ = 	snop  }
0x3c: {  	p2 =	seq.s32 s10, $0x1;
	s10 =	sld [smem:$0x3FBB]  }
0x3d: {  	_ =	shalt  }
0x3e: {  	_ =	shalt  }
0x3f: {  	_ =	shalt  }
0x40: {  	_ =	shalt  }
0x41: {  	_ =	shalt  }
0x42: {  	_ =	shalt  }
0x43: {  	_ =	shalt  }
0x44: {  	_ =	shalt  }
0x45: {  	_ =	shalt  }
0x46: {  	_ =	shalt  }
0x47: {  	_ =	shalt  }
0x48: {  	_ =	shalt  }
0x49: {  	_ =	shalt  }
0x4a: {  	_ =	shalt  }
0x4b: {  	_ =	shalt  }
0x4c: {  	_ =	shalt  }
0x4d: {  	_ =	shalt  }
0x4e: {  	_ =	shalt  }
0x4f: {  	_ =	shalt  }
0x50: {  	_ =	shalt  }
0x51: {  	_ =	shalt  }
0x52: {  	_ =	shalt  }
0x53: {  	_ =	shalt  }
0x54: {  	_ =	shalt  }
0x55: {  	_ =	shalt  }
0x56: {  	_ =	shalt  }
0x57: {  	_ =	shalt  }
0x58: {  	_ =	shalt  }
0x59: {  	_ =	shalt  }
0x5a: {  	_ =	shalt  }
0x5b: {  	_ =	shalt  }
0x5c: {  	_ =	shalt  }
0x5d: {  	_ =	shalt  }
0x5e: {  	_ =	shalt  }
0x5f: {  	_ =	shalt  }
0x60: {  	_ =	shalt  }
0x61: {  	_ =	shalt  }
0x62: {  	_ =	shalt  }
0x63: {  	_ =	shalt  }
0x64: {  	_ =	shalt  }
0x65: {  	_ =	shalt  }
0x66: {  	_ =	shalt  }
0x67: {  	_ =	shalt  }
0x68: {  	_ =	shalt  }
0x69: {  	_ =	shalt  }
0x6a: {  	_ =	shalt  }
0x6b: {  	_ =	shalt  }
0x6c: {  	_ =	shalt  }
0x6d: {  	_ =	shalt  }
0x6e: {  	_ =	shalt  }
0x6f: {  	_ =	shalt  }
0x70: {  	_ =	shalt  }
0x71: {  	_ =	shalt  }
0x72: {  	_ =	shalt  }
0x73: {  	_ =	shalt  }
0x74: {  	_ =	shalt  }
0x75: {  	_ =	shalt  }
0x76: {  	_ =	shalt  }
0x77: {  	_ =	shalt  }
0x78: {  	_ =	shalt  }
0x79: {  	_ =	shalt  }
0x7a: {  	_ =	shalt  }
0x7b: {  	_ =	shalt  }
0x7c: {  	_ =	shalt  }
0x7d: {  	_ =	shalt  }
0x7e: {  	_ =	shalt  }
0x7f: {  	_ =	shalt  }
0x80: {  	_ =	shalt  }
0x81: {  	_ =	shalt  }
0x82: {  	_ =	shalt  }
0x83: {  	_ =	shalt  }
0x84: {  	_ =	shalt  }
0x85: {  	_ =	shalt  }
0x86: {  	_ =	shalt  }
0x87: {  	_ =	shalt  }
.Lfunc_end0:
.L_simem_size_0:
called_computation.1_lowered:
.L_overlay_start_0:
0x88: {  	s2 =	sld [smem:$0x3FD9]  }
0x89: {  	s3 =	sld [smem:$0x3FFE];
	_ =	sdelay $0x1  }
0x8a: {  	s1 =	srdreg.scid  }
0x8b: {  	s0 =	sand.u32 $0x1, s1  }
0x8c: {  	s17 =	sshll.u32 s0, $0xA;
	s2 =	sadd.s32 s3, s2  }
0x8d: {  	s2 =	sadd.s32 s2, s17  }
0x8e: {  	[smem:$0x3FC7] =	sst s2  }
0x8f: {  	_ = 	snop  }
0x90: {  	s2 =	sld [smem:$0x3FD0];
	(tm) =	ssettm $0x1  }
0x91: {  	s18 =	sld [smem:$0x3FFB];
	_ =	sdelay $0x3  }
0x92: {  	_ =	strace s18  }
0x93: {  	s3 =	sld [smem:$0x3FFC];
	_ =	sdelay $0x3  }
0x94: {  	_ =	strace s3  }
0x95: {  	s3 =	sld [smem:$0x3FFD];
	_ =	sdelay $0x3  }
0x96: {  	_ =	strace s3  }
0x97: {  	_ =	strace $0x8FFFFFFF  }
0x98: {  	s19 =	sld [smem:$0x3FDB];
	_ =	sdelay $0x1  }
0x99: {  	s4 =	simm.s32 $_scs_section_size  }
0x9a: {  	s5 =	simm.s32 $_size__tile_overlayer_lowered;
	s6 =	simm.s32 $_tile_overlayer_lowered  }
0x9b: {  	s22 =	simm.s32 $0x1BFF;
	s21 =	sshll.u32 s6, $0x1;
	s3 =	sadd.s32 s4, s19  }
0x9c: {  	s7 =	simm.s32 $0x0;
	s20 =	sshll.u32 s5, $0x1;
	s5 =	sadd.s32 s21, s3  }
0x9d: {  	[timem:s7], [sflag:s22] =	dma.local [hbm:s5], s20  }
0x9e: {  	_ =	swait.ge [sflag:s22], s20  }
0x9f: {  	s4 =	ssub.s32 $0x0, s20;
	[sflag:s22] =	ssyncset.done $0x0  }
0xa0: {  	[sflag:s22] =	ssyncadd.s32 s4;
	_ =	sdelay $0x1  }
0xa1: {  	s23 =	simm.s32 $0x1B8B  }
0xa2: {  	_ =	swait.ge [sflag:s23], $0x1  }
0xa3: {  	[sflag:s23] =	ssyncset.done $0x0  }
0xa4: {  	s25 =	simm.s32 $0x1B8E;
	s24 =	sld [smem:$0x3FFE];
	[sflag:s23] =	ssyncadd.s32 $0xFFFFFFFF  }
0xa5: {  	s26 =	simm.s32 $execute0_lowered;
	[smem:$0x3FD2] =	sst s25  }
0xa6: {  	s5 =	sshll.u32 s26, $0x1;
	_ =	strace $0x80000046;
	[dreg:$0x1] =	wrdreg $0xFFFFFFFF  }
0xa7: {  	s28 =	simm.s32 $_size_execute0_lowered;
	s3 =	sadd.s32 s3, s5;
	[dreg:$0x0] =	wrdreg $0x0  }
0xa8: {  	s5 =	sshll.u32 s28, $0x1;
	[dreg:$0x2] =	wrdreg s3  }
0xa9: {  	[dreg:$0x3] =	wrdreg s5  }
0xaa: {  	[dreg:$0x4] =	wrdreg $0xC0  }
0xab: {  	_ =	task [dreg:s7], $0x5FFFF  }
0xac: {  	[dreg:$0x1] =	wrdreg $0xFFFFFFFF  }
0xad: {  	[dreg:$0x0] =	wrdreg $0x60  }
0xae: {  	[dreg:$0x2] =	wrdreg s24  }
0xaf: {  	[dreg:$0x3] =	wrdreg s2  }
0xb0: {  	[dreg:$0x4] =	wrdreg $0x9  }
0xb1: {  	_ =	task.clear_ibuf [dreg:s7], $0x5FFFF;
	_ =	strace $0x90000046  }
0xb2: {  	s29 =	simm.s32 $0x9;
	_ =	strace $0x80000048  }
0xb3: {  	_ =	swait.ge [sflag:s29], $0x1  }
0xb4: {  	[sflag:s29] =	ssyncadd.s32 $0xFFFFFFFF  }
0xb5: {  	_ =	strace $0x90000048  }
0xb6: {  	_ =	sfence  }
0xb7: {  	s30 =	sld [smem:$0x0];
	_ =	sdelay $0x2  }
0xb8: {  	s31 =	sshll.u32 s1, $0xD;
	s1 =	sshrl.u32 s1, $0x2  }
0xb9: {  	s3 =	sand.u32 $0x4000, s31;
	s1 =	sadd.s32 s1, s30  }
0xba: {  	s0 =	sor.u32 s3, s0;
	s1 =	sshll.u32 s1, $0x11  }
0xbb: {  	s0 =	sor.u32 s1, s0  }
0xbc: {  	s0 =	sadd.s32 $0x8F2B, s0  }
0xbd: {  	[sflag:s0] =	ssyncadd.remote.s32 $0x1  }
0xbe: {  	_ =	sfence.sel $0xFFFF  }
0xbf: {  	[dreg:$0x0] =	wrdreg $0xFFFFFFFF;
	(pc) =	sbr.abs _section_cstart, $3  }
0xc0: {  	[dreg:$0x1] =	wrdreg $0xFFFFFFFF  }
0xc1: {  	_ =	task.clear_ibuf [dreg:s7], $0x2FFFF;
	_ =	strace $0x9FFFFFFF  }
0xc2: {  	(tm) =	ssettm $0x7FFFFFFF  }
0xc3: {  	_ =	shalt  }
tec
execute0_lowered:
.L_overlay_start_1:
0x0: {  	(tag) =	ssettag $0x1  }
0x1: {  	s0 =	rddreg [dreg:$0x0]  }
0x2: {  	s1 =	rddreg [dreg:$0x1];
	s2 =	simm.s32 $0x0;
	s3 =	srdreg.scid  }
0x3: {  	s30 =	stileid.u32;
	s12 =	simm.s32 $0x5;
	s16 =	simm.s32 $0x8000  }
0x4: {  	s17 =	simm.s32 $0x1;
	s18 =	simm.s32 $0x2;
	s19 =	simm.s32 $0x10000  }
0x5: {  	s20 =	simm.s32 $0x13000;
	s21 =	simm.s32 $0x17800;
	s22 =	simm.s32 $0x3  }
0x6: {  	s23 =	simm.s32 $0x4;
	s24 =	simm.s32 $0x0;
	[smem:$0x7FF] =	sst s2  }
0x7: {  	s4 =	sadd.s32 $0x1000, s0;
	s5 =	sadd.s32 $0x81600, s0;
	s3 =	sand.u32 $0x1, s3  }
0x8: {  	s6 =	sadd.s32 $0x81400, s0;
	s8 =	sshll.u32 s30, $0x1;
	s9 =	ssub.s32 $0x2, s3  }
0x9: {  	s7 =	sadd.s32 $0x81200, s0;
	_ =	strace $0x80000047;
	s10 =	sshrl.u32 s9, $0x1  }
0xa: {  	[dreg:$0x3] =	wrdreg s5;
	s3 =	sor.u32 s3, s8;
	s31 =	ssub.s32 s9, s10  }
0xb: {  	s8 =	sadd.s32 $0x81000, s0;
	s9 =	smul.u32 $0x6, s3;
	s10 =	smax.u32 s31, $0x1  }
.LBB2_1:
0xc: {  	s0 =	rddreg [dreg:$0x3];
	s3 =	simm.s32 $0x1C000  }
0xd: {  	[tilespmem:s3], [sflag:$0x5] =	stream.linear.gather [hbm4b:s0+s2], $0x600, $0x38;
	[tilespmem:$0x1CF00] =	vst v63  }
0xe: {  	_ =	swait.ge [sflag:s12], $0x600  }
0xf: {  	[sflag:s12] =	ssyncset.done $0x0  }
0x10: {  	s29 =	simm.s32 $0x1C600;
	[sflag:s12] =	ssyncadd.s32 $0xFFFFFA00  }
0x11: {  	[tilespmem:s29], [sflag:$0x5] =	stream.linear.gather [hbm4b:s6+s2], $0x300, $0x38;
	[tilespmem:$0x1CF00] =	vst v63  }
0x12: {  	_ =	swait.ge [sflag:s12], $0x300  }
0x13: {  	[sflag:s12] =	ssyncset.done $0x0  }
0x14: {  	s30 =	simm.s32 $0x1C900;
	[sflag:s12] =	ssyncadd.s32 $0xFFFFFD00  }
0x15: {  	[tilespmem:s30], [sflag:$0x5] =	stream.linear.gather [hbm4b:s7+s2], $0x300, $0x38;
	[tilespmem:$0x1CF00] =	vst v63  }
0x16: {  	_ =	swait.ge [sflag:s12], $0x300  }
0x17: {  	[sflag:s12] =	ssyncset.done $0x0  }
0x18: {  	s31 =	simm.s32 $0x1CC00;
	[sflag:s12] =	ssyncadd.s32 $0xFFFFFD00  }
0x19: {  	[tilespmem:s31], [sflag:$0x5] =	stream.linear.gather [hbm4b:s8+s2], $0x300, $0x38;
	[tilespmem:$0x1CF00] =	vst v63  }
0x1a: {  	_ =	swait.ge [sflag:s12], $0x300  }
0x1b: {  	[sflag:s12] =	ssyncset.done $0x0  }
0x1c: {  	s25 =	simm.s32 $0x0;
	[sflag:s12] =	ssyncadd.s32 $0xFFFFFD00  }
.LBB2_2:
0x1d: {  	s0 =	sadd.s32 s9, s25  }
0x1e: {  	s3 =	simm.s32 $0xFFFFFFA0;
	p0 =	sgt.u32 s0, $0x5F  }
0x1f: {  	s3 =	simm.s32 @!p0 $0x0  }
0x20: {  	s26 =	sadd.s32 s0, s3  }
0x21: {  	s0 =	smul.u32 $0xA9CE, s26;
	_ =	sdelay $0x1  }
0x22: {  	s3 =	simm.s32 $0x200000;
	s11 =	sshra.s32 s0, $0x10  }
0x23: {  	s3 =	simm.s32 @!p0 $0x0;
	s0 =	sshll.u32 s11, $0xF;
	p1 =	slt.s32 s11, $0x3E  }
0x24: {  	s0 =	sadd.s32 s3, s0;
	s11 =	simm.s32 @!p1 $0x3E  }
0x25: {  	s0 =	sshrl.u32 s0, $0x3;
	s11 =	sshll.u32 s11, $0xF  }
0x26: {  	s13 =	sadd.s32 s4, s0;
	s0 =	simm.s32 $0x0;
	s3 =	sadd.s32 s3, s11  }
0x27: {  	[tilespmem:s0], [sflag:$0x1] =	stream.linear.gather [hbm4b:s13+s0], $0x8000, $0x38;
	[tilespmem:$0x1CF00] =	vst v63  }
0x28: {  	s3 =	sadd.s32 $0x8000, s3  }
0x29: {  	s3 =	sshrl.u32 s3, $0x3  }
0x2a: {  	s3 =	sadd.s32 s4, s3  }
0x2b: {  	[tilespmem:s16], [sflag:$0x2] =	stream.linear.gather [hbm4b:s3+s0], $0x8000, $0x38;
	[tilespmem:$0x1CF00] =	vst v63  }
0x2c: {  	_ =	swait.ge [sflag:s17], $0x8000  }
0x2d: {  	[sflag:s17] =	ssyncset.done $0x0  }
0x2e: {  	[sflag:s17] =	ssyncadd.s32 $0xFFFF8000  }
0x2f: {  	_ =	swait.ge [sflag:s18], $0x8000  }
0x30: {  	s31 =	sshll.u32 s26, $0x6;
	[sflag:s18] =	ssyncset.done $0x0  }
0x31: {  	s3 =	sshra.s32 s31, $0x2;
	[sflag:s18] =	ssyncadd.s32 $0xFFFF8000  }
0x32: {  	v0 =	vld [tilespmem:s3+$0x1C000];
	_ =	sdelay $0x4  }
0x33: {  	s28 =	simm.s32 $0x0;
	s29 =	simm.s32 $0x0;
	v1 =	vsub.f32 $1.000000000e+00, v0  }
.LBB2_3:
0x34: {  	s3 =	sshll.u32 s28, $0x2;
	s11 =	sand.u32 $0x7, s0  }
0x35: {  	s3 =	sand.u32 $0xFFFFC000, s3;
	s11 =	sshll.u32 s11, $0x9  }
0x36: {  	s3 =	sor.u32 s11, s3  }
0x37: {  	s11 =	sshrl.u32 s3, $0x2  }
0x38: {  	s3 =	sor.u32 $0x40, s11  }
0x39: {  	s30 =	sadd.s32 $0x8040, s11;
	v2 =	vld [tilespmem:s3+$0x30]  }
0x3a: {  	v3 =	vld [tilespmem:s30+$0x30]  }
0x3b: {  	v5 =	vld [tilespmem:s30+$0xFFFFFFC0]  }
0x3c: {  	v4 =	vld [tilespmem:s3+$0xFFFFFFD0]  }
0x3d: {  	v6 =	vld [tilespmem:s30+$0xFFFFFFD0]  }
0x3e: {  	v7 =	vld [tilespmem:s3+$0xFFFFFFE0]  }
0x3f: {  	v8 =	vld [tilespmem:s30+$0xFFFFFFE0]  }
0x40: {  	v9 =	vld [tilespmem:s3+$0xFFFFFFF0]  }
0x41: {  	v10 =	vld [tilespmem:s30+$0xFFFFFFF0]  }
0x42: {  	v11 =	vld [tilespmem:s3+$0x0];
	v2 =	vmul.f32 v2, v0;
	v3 =	vmul.f32 v3, v1  }
0x43: {  	v13 =	vld [tilespmem:s30+$0x0];
	v12 =	vmul.f32 v4, v0;
	v6 =	vmul.f32 v6, v1  }
0x44: {  	v7 =	vmul.f32 v7, v0;
	v8 =	vmul.f32 v8, v1;
	v4 =	vld [tilespmem:s3+$0x10];
	v2 =	vadd.f32 v3, v2  }
0x45: {  	v12 =	vadd.f32 v6, v12;
	v3 =	vld [tilespmem:s30+$0x10]  }
0x46: {  	v9 =	vmul.f32 v9, v0;
	v10 =	vmul.f32 v10, v1;
	v14 =	vadd.f32 v8, v7;
	v6 =	vld [tilespmem:s3+$0x20];
	[tilespmem:s3+$0x30] =	vst v2  }
0x47: {  	v7 =	vld [tilespmem:s30+$0x20];
	v8 =	vmul.f32 v11, v0;
	[tilespmem:s3+$0xFFFFFFD0] =	vst v12  }
0x48: {  	s11 =	simm.s32 $0x0;
	s31 =	sadd.s32 $0x400, s3;
	v9 =	vadd.f32 v10, v9;
	v10 =	vmul.f32 v13, v1;
	v2 =	vmul.f32 v5, v1;
	v5 =	vld [tilespmem:s3+$0xFFFFFFC0];
	[tilespmem:s3+$0xFFFFFFE0] =	vst v14  }
.LBB2_4:
0x49: {  	v11 =	vld [tilespmem:s31+$0x30];
	v4 =	vmul.f32 v4, v0;
	s30 =	sadd.s32 $0x400, s30  }
0x4a: {  	s11 =	sadd.s32 $0x8, s11;
	v12 =	vld [tilespmem:s30+$0x30];
	[tilespmem:s3+$0xFFFFFFF0] =	vst v9;
	v8 =	vadd.f32 v10, v8;
	v3 =	vmul.f32 v3, v1  }
0x4b: {  	p1 =	slt.u32 s11, $0x18;
	v9 =	vld [tilespmem:s30+$0xFFFFFFC0];
	v6 =	vmul.f32 v6, v0  }
0x4c: {  	v10 =	vld [tilespmem:s31+$0xFFFFFFD0];
	[tilespmem:s3+$0x0] =	vst v8;
	v3 =	vadd.f32 v3, v4;
	v4 =	vmul.f32 v7, v1  }
0x4d: {  	v7 =	vld [tilespmem:s30+$0xFFFFFFD0];
	v5 =	vmul.f32 v5, v0  }
0x4e: {  	v8 =	vld [tilespmem:s31+$0xFFFFFFE0];
	[tilespmem:s3+$0x10] =	vst v3;
	v3 =	vadd.f32 v4, v6  }
0x4f: {  	v6 =	vmul.f32 v11, v0;
	v4 =	vld [tilespmem:s30+$0xFFFFFFE0];
	v11 =	vmul.f32 v12, v1;
	v5 =	vadd.f32 v2, v5  }
0x50: {  	v2 =	vmul.f32 v9, v1;
	v9 =	vld [tilespmem:s31+$0xFFFFFFF0];
	[tilespmem:s3+$0x20] =	vst v3  }
0x51: {  	v3 =	vmul.f32 v10, v0;
	v10 =	vld [tilespmem:s30+$0xFFFFFFF0];
	v6 =	vadd.f32 v11, v6;
	[tilespmem:s3+$0xFFFFFFC0] =	vst v5;
	s3 =	smov.u32 s31  }
0x52: {  	v5 =	vmul.f32 v7, v1;
	v7 =	vld [tilespmem:s31+$0x0]  }
0x53: {  	v8 =	vmul.f32 v8, v0;
	v11 =	vld [tilespmem:s30+$0x0];
	[tilespmem:s31+$0x30] =	vst v6  }
.Ltmp0:
0x54: {  	v5 =	vadd.f32 v5, v3;
	v6 =	vmul.f32 v4, v1;
	v4 =	vld [tilespmem:s31+$0x10];
	(pc) =	sbr.rel @p1 .LBB2_4-.Ltmp0, $4  }
0x55: {  	v9 =	vmul.f32 v9, v0;
	v3 =	vld [tilespmem:s30+$0x10]  }
0x56: {  	[tilespmem:s31+$0xFFFFFFD0] =	vst v5;
	v12 =	vadd.f32 v6, v8;
	v10 =	vmul.f32 v10, v1;
	v6 =	vld [tilespmem:s31+$0x20]  }
0x57: {  	v8 =	vmul.f32 v7, v0;
	v7 =	vld [tilespmem:s30+$0x20]  }
0x58: {  	s31 =	sadd.s32 $0x400, s31;
	v5 =	vld [tilespmem:s3+$0xFFFFFFC0];
	[tilespmem:s3+$0xFFFFFFE0] =	vst v12;
	v9 =	vadd.f32 v10, v9;
	v10 =	vmul.f32 v11, v1  }
0x59: {  	_ =	sdelay $0x1  }
0x5a: {  	v4 =	vmul.f32 v4, v0;
	s29 =	sadd.s32 $0x1, s29;
	v3 =	vmul.f32 v3, v1  }
0x5b: {  	v8 =	vadd.f32 v10, v8;
	p1 =	sne.s32 s29, $0x40;
	v6 =	vmul.f32 v6, v0;
	v7 =	vmul.f32 v7, v1  }
.Ltmp1:
0x5c: {  	[tilespmem:s3+$0xFFFFFFF0] =	vst v9;
	v3 =	vadd.f32 v3, v4;
	v62 =	vmul.f32 v5, v0;
	(pc) =	sbr.rel @p1 .LBB2_3-.Ltmp1, $4  }
0x5d: {  	[tilespmem:s3+$0x0] =	vst v8;
	v63 =	vadd.f32 v7, v6  }
0x5e: {  	[tilespmem:s3+$0x10] =	vst v3;
	v2 =	vadd.f32 v2, v62  }
0x5f: {  	[tilespmem:s3+$0x20] =	vst v63  }
0x60: {  	s28 =	sadd.s32 $0x200, s28;
	s0 =	sadd.s32 $0x1, s0;
	[tilespmem:s3+$0xFFFFFFC0] =	vst v2  }
0x61: {  	s0 =	simm.s32 $0x0;
	s29 =	simm.s32 $0x10040;
	s30 =	simm.s32 $0x0  }
.LBB2_7:
0x62: {  	s3 =	sshrl.u32 s0, $0x7;
	s11 =	sshrl.u32 s0, $0x5  }
0x63: {  	s13 =	sand.u32 $0x1FFFE00, s3;
	s11 =	sand.u32 $0x7FFC000, s11;
	s3 =	sand.u32 $0xE00, s3  }
0x64: {  	s28 =	sshll.u32 s30, $0x4;
	s3 =	sor.u32 s3, s11  }
0x65: {  	s14 =	sand.u32 $0x3FFFFFF0, s28;
	s13 =	sadd.s32 $0x200, s13;
	s3 =	sshrl.u32 s3, $0x2  }
0x66: {  	v0 =	vld [tilespmem:s14+$0x1C000];
	s5 =	sshll.u32 s13, $0x2;
	s31 =	sor.u32 $0x40, s3  }
0x67: {  	s13 =	sand.u32 $0xE00, s13;
	s11 =	sand.u32 $0xFFFC000, s5;
	v2 =	vld [tilespmem:s31+$0x30]  }
0x68: {  	s11 =	sor.u32 s13, s11;
	v4 =	vld [tilespmem:s31+$0xFFFFFFD0]  }
0x69: {  	v7 =	vld [tilespmem:s31+$0xFFFFFFE0];
	s15 =	sshrl.u32 s11, $0x2  }
0x6a: {  	v9 =	vld [tilespmem:s31+$0xFFFFFFF0];
	s3 =	sor.u32 $0x40, s15  }
0x6b: {  	v3 =	vld [tilespmem:s3+$0x30]  }
0x6c: {  	v6 =	vld [tilespmem:s3+$0xFFFFFFD0]  }
0x6d: {  	v8 =	vld [tilespmem:s3+$0xFFFFFFE0]  }
0x6e: {  	v11 =	vld [tilespmem:s31+$0x0];
	v1 =	vsub.f32 $1.000000000e+00, v0  }
0x6f: {  	v10 =	vld [tilespmem:s3+$0xFFFFFFF0]  }
0x70: {  	v5 =	vld [tilespmem:s3+$0xFFFFFFC0];
	v2 =	vmul.f32 v2, v0;
	v3 =	vmul.f32 v3, v1  }
0x71: {  	v13 =	vld [tilespmem:s3+$0x0];
	v12 =	vmul.f32 v4, v0;
	v6 =	vmul.f32 v6, v1  }
0x72: {  	v7 =	vmul.f32 v7, v0;
	v4 =	vld [tilespmem:s31+$0x10];
	v8 =	vmul.f32 v8, v1;
	v2 =	vadd.f32 v3, v2  }
0x73: {  	v12 =	vadd.f32 v6, v12;
	v3 =	vld [tilespmem:s3+$0x10]  }
0x74: {  	v9 =	vmul.f32 v9, v0;
	v10 =	vmul.f32 v10, v1;
	v14 =	vadd.f32 v8, v7;
	v6 =	vld [tilespmem:s31+$0x20];
	[tilespmem:s29+$0x30] =	vst v2  }
0x75: {  	v7 =	vld [tilespmem:s3+$0x20];
	v8 =	vmul.f32 v11, v0;
	[tilespmem:s29+$0xFFFFFFD0] =	vst v12  }
0x76: {  	s28 =	simm.s32 $0x0;
	s11 =	smov.u32 s29;
	v9 =	vadd.f32 v10, v9;
	v10 =	vmul.f32 v13, v1;
	v2 =	vmul.f32 v5, v1;
	v5 =	vld [tilespmem:s31+$0xFFFFFFC0];
	[tilespmem:s29+$0xFFFFFFE0] =	vst v14;
	s31 =	sadd.s32 $0x400, s31  }
.LBB2_8:
0x77: {  	v11 =	vld [tilespmem:s31+$0x30];
	v4 =	vmul.f32 v4, v0;
	s3 =	sadd.s32 $0x400, s3  }
0x78: {  	s28 =	sadd.s32 $0x8, s28;
	v12 =	vld [tilespmem:s3+$0x30];
	[tilespmem:s11+$0xFFFFFFF0] =	vst v9;
	v8 =	vadd.f32 v10, v8;
	v3 =	vmul.f32 v3, v1  }
0x79: {  	p1 =	slt.u32 s28, $0x18;
	v9 =	vld [tilespmem:s3+$0xFFFFFFC0];
	v6 =	vmul.f32 v6, v0  }
0x7a: {  	v10 =	vld [tilespmem:s31+$0xFFFFFFD0];
	[tilespmem:s11+$0x0] =	vst v8;
	v3 =	vadd.f32 v3, v4;
	v4 =	vmul.f32 v7, v1  }
0x7b: {  	v7 =	vld [tilespmem:s3+$0xFFFFFFD0];
	v5 =	vmul.f32 v5, v0  }
0x7c: {  	v8 =	vld [tilespmem:s31+$0xFFFFFFE0];
	[tilespmem:s11+$0x10] =	vst v3;
	v3 =	vadd.f32 v4, v6  }
0x7d: {  	v6 =	vmul.f32 v11, v0;
	v4 =	vld [tilespmem:s3+$0xFFFFFFE0];
	v11 =	vmul.f32 v12, v1;
	v5 =	vadd.f32 v2, v5  }
0x7e: {  	v2 =	vmul.f32 v9, v1;
	v9 =	vld [tilespmem:s31+$0xFFFFFFF0];
	[tilespmem:s11+$0x20] =	vst v3  }
0x7f: {  	v3 =	vmul.f32 v10, v0;
	v10 =	vld [tilespmem:s3+$0xFFFFFFF0];
	v6 =	vadd.f32 v11, v6;
	[tilespmem:s11+$0xFFFFFFC0] =	vst v5  }
0x80: {  	s11 =	sadd.s32 $0x80, s11;
	v5 =	vmul.f32 v7, v1;
	v7 =	vld [tilespmem:s31+$0x0]  }
0x81: {  	v8 =	vmul.f32 v8, v0;
	v11 =	vld [tilespmem:s3+$0x0];
	[tilespmem:s11+$0x30] =	vst v6  }
.Ltmp2:
0x82: {  	v5 =	vadd.f32 v5, v3;
	v6 =	vmul.f32 v4, v1;
	v4 =	vld [tilespmem:s31+$0x10];
	(pc) =	sbr.rel @p1 .LBB2_8-.Ltmp2, $4  }
0x83: {  	v9 =	vmul.f32 v9, v0;
	v3 =	vld [tilespmem:s3+$0x10]  }
0x84: {  	[tilespmem:s11+$0xFFFFFFD0] =	vst v5;
	v12 =	vadd.f32 v6, v8;
	v10 =	vmul.f32 v10, v1;
	v6 =	vld [tilespmem:s31+$0x20]  }
0x85: {  	v8 =	vmul.f32 v7, v0;
	v7 =	vld [tilespmem:s3+$0x20]  }
0x86: {  	v5 =	vld [tilespmem:s31+$0xFFFFFFC0];
	[tilespmem:s11+$0xFFFFFFE0] =	vst v12;
	v9 =	vadd.f32 v10, v9;
	v10 =	vmul.f32 v11, v1;
	s31 =	sadd.s32 $0x400, s31  }
0x87: {  	_ =	sdelay $0x1  }
0x88: {  	v4 =	vmul.f32 v4, v0;
	s30 =	sadd.s32 $0x1, s30;
	v3 =	vmul.f32 v3, v1  }
0x89: {  	v8 =	vadd.f32 v10, v8;
	p1 =	sne.s32 s30, $0x18;
	v6 =	vmul.f32 v6, v0;
	v62 =	vmul.f32 v7, v1  }
.Ltmp3:
0x8a: {  	[tilespmem:s11+$0xFFFFFFF0] =	vst v9;
	v3 =	vadd.f32 v3, v4;
	v63 =	vmul.f32 v5, v0;
	(pc) =	sbr.rel @p1 .LBB2_7-.Ltmp3, $4  }
0x8b: {  	[tilespmem:s11+$0x0] =	vst v8;
	v1 =	vadd.f32 v62, v6  }
0x8c: {  	[tilespmem:s11+$0x10] =	vst v3;
	v0 =	vadd.f32 v2, v63  }
0x8d: {  	[tilespmem:s11+$0x20] =	vst v1  }
0x8e: {  	s0 =	sadd.s32 $0xA9CE, s0;
	s29 =	sadd.s32 $0x200, s29;
	s28 =	simm.s32 $0x0;
	[tilespmem:s11+$0xFFFFFFC0] =	vst v0  }
0x8f: {  	s29 =	simm.s32 $0x0;
	s30 =	simm.s32 $0x0;
	s31 =	simm.s32 $0x0  }
.LBB2_11:
0x90: {  	s0 =	sshll.u32 s31, $0x4  }
0x91: {  	v2 =	vld [tilespmem:s0+$0x1C900]  }
0x92: {  	v3 =	vld [tilespmem:s0+$0x1C600];
	_ =	sdelay $0x3  }
0x93: {  	s3 =	simm.s32 $0xE00  }
0x94: {  	v5 =	vadd.s32 s3, v3  }
0x95: {  	s15 =	simm.s32 $0x200;
	v6 =	vadd.s32 s3, v2  }
0x96: {  	v0 =	vld [tilespmem:s0+$0x1CC00];
	v8 =	vadd.s32 s15, v3  }
0x97: {  	s5 =	simm.s32 $0x400;
	v9 =	vadd.s32 s15, v2;
	v7 =	vld.idx.msk [tilespmem:v2+s19+$0x0], $0xffff  }
0x98: {  	s11 =	simm.s32 $0x600;
	v11 =	vadd.s32 s5, v3;
	v10 =	vld.idx.msk [tilespmem:v3+s19+$0x0], $0xffff  }
0x99: {  	v4 =	vadd.s32 $0x1000, v2;
	v14 =	vadd.s32 s11, v3;
	v5 =	vld.idx.msk [tilespmem:v5+s19+$0x0], $0xffff  }
0x9a: {  	v1 =	vadd.s32 s28, v4;
	v15 =	vld.idx.msk [tilespmem:v6+s19+$0x0], $0xffff  }
0x9b: {  	v16 =	vadd.s32 s11, v2;
	s15 =	simm.s32 $0xC00;
	v17 =	vld.idx.msk [tilespmem:v8+s19+$0x0], $0xffff  }
0x9c: {  	v30 =	vadd.s32 s15, v2;
	v19 =	vld.idx.msk [tilespmem:v9+s19+$0x0], $0xffff  }
0x9d: {  	s13 =	simm.s32 $0x800;
	v13 =	vadd.s32 s5, v2;
	v11 =	vld.idx.msk [tilespmem:v11+s19+$0x0], $0xffff  }
0x9e: {  	v18 =	vadd.s32 s13, v3;
	v8 =	vld.idx.msk [tilespmem:v14+s19+$0x0], $0xffff  }
0x9f: {  	s14 =	simm.s32 $0xA00;
	v20 =	vadd.s32 s13, v2;
	v12 =	vld.idx.msk [tilespmem:v1+s19+$0x0], $0xffff;
	v1 =	vsub.f32 $1.000000000e+00, v0  }
0xa0: {  	v25 =	vadd.s32 s14, v2;
	v26 =	vadd.s32 s15, v3;
	v9 =	vld.idx.msk [tilespmem:v16+s19+$0x0], $0xffff  }
0xa1: {  	s3 =	simm.s32 $0x1000;
	v6 =	vadd.s32 $0x1000, v3;
	v30 =	vld.idx.msk [tilespmem:v30+s19+$0x0], $0xffff;
	v21 =	vmul.f32 v7, v1;
	v10 =	vmul.f32 v10, v0  }
0xa2: {  	v22 =	vadd.s32 s14, v3;
	s5 =	sshll.u32 s30, $0x2;
	s11 =	sand.u32 $0x7, s29;
	s14 =	simm.s32 $0x1200;
	v29 =	vadd.s32 s3, v4;
	v31 =	vadd.s32 s28, v6;
	v7 =	vld.idx.msk [tilespmem:v13+s19+$0x0], $0xffff  }
0xa3: {  	s13 =	sand.u32 $0xFFFFF000, s5;
	s11 =	sshll.u32 s11, $0x6;
	v24 =	vadd.s32 s14, v3;
	v23 =	vadd.s32 s14, v2;
	s15 =	simm.s32 $0x1400;
	v34 =	vadd.f32 v21, v10;
	v10 =	vld.idx.msk [tilespmem:v18+s19+$0x0], $0xffff  }
0xa4: {  	s0 =	sor.u32 s11, s13;
	s13 =	simm.s32 $0x1E00;
	v28 =	vadd.s32 s15, v3;
	v16 =	vmul.f32 v5, v0;
	v5 =	vmul.f32 v12, v1;
	v12 =	vld.idx.msk [tilespmem:v20+s19+$0x0], $0xffff  }
0xa5: {  	v32 =	vadd.s32 s13, v3;
	v33 =	vadd.s32 s13, v2;
	v15 =	vmul.f32 v15, v1;
	v20 =	vld.idx.msk [tilespmem:v25+s19+$0x0], $0xffff  }
0xa6: {  	s5 =	simm.s32 $0x1A00;
	s0 =	sshrl.u32 s0, $0x2;
	v27 =	vadd.s32 s3, v6;
	v13 =	vmul.f32 v17, v0;
	v17 =	vmul.f32 v11, v0;
	v25 =	vld.idx.msk [tilespmem:v26+s19+$0x0], $0xffff  }
0xa7: {  	s14 =	simm.s32 $0x1600;
	s0 =	sadd.s32 $0x13200, s0;
	v21 =	vadd.s32 s15, v2;
	s15 =	simm.s32 $0x1800;
	v11 =	vadd.s32 s5, v2;
	v31 =	vld.idx.msk [tilespmem:v31+s19+$0x0], $0xffff;
	v16 =	vadd.f32 v15, v16  }
0xa8: {  	v14 =	vmul.f32 v19, v1;
	v26 =	vadd.s32 s14, v3;
	v18 =	vadd.s32 s15, v3;
	v15 =	vld.idx.msk [tilespmem:v22+s19+$0x0], $0xffff;
	[tilespmem:s0+$0xFFFFFE00] =	vst v34  }
0xa9: {  	s11 =	simm.s32 $0x8;
	s13 =	simm.s32 $0x1C00;
	v19 =	vadd.s32 s15, v2;
	v22 =	vadd.s32 s14, v2;
	[tilespmem:s0+$0x180] =	vst v16;
	v16 =	vadd.s32 s5, v3  }
.LBB2_12:
0xaa: {  	v29 =	vld.idx.msk [tilespmem:v29+s19+$0x0], $0xffff;
	v34 =	vadd.s32 s13, v3;
	v35 =	vadd.s32 s13, v2;
	v7 =	vmul.f32 v7, v1;
	v36 =	vmovc v27  }
0xab: {  	v13 =	vadd.f32 v14, v13;
	v8 =	vmul.f32 v8, v0;
	v9 =	vmul.f32 v9, v1;
	v27 =	vld.idx.msk [tilespmem:v32+s19+$0x0], $0xffff  }
0xac: {  	v14 =	vld.idx.msk [tilespmem:v33+s19+$0x0], $0xffff;
	v17 =	vadd.f32 v7, v17;
	v7 =	vmul.f32 v10, v0;
	v10 =	vmul.f32 v12, v1  }
0xad: {  	v9 =	vadd.f32 v9, v8;
	v8 =	vmul.f32 v15, v0;
	v15 =	vmul.f32 v20, v1;
	v12 =	vld.idx.msk [tilespmem:v24+s19+$0x0], $0xffff  }
0xae: {  	v24 =	vmul.f32 v30, v1;
	v20 =	vld.idx.msk [tilespmem:v23+s19+$0x0], $0xffff;
	v10 =	vadd.f32 v10, v7;
	v23 =	vmul.f32 v25, v0  }
0xaf: {  	v25 =	vmul.f32 v31, v0;
	v15 =	vadd.f32 v15, v8;
	v28 =	vld.idx.msk [tilespmem:v28+s19+$0x0], $0xffff;
	[tilespmem:s0+$0xFFFFFE80] =	vst v13  }
0xb0: {  	v13 =	vmul.f32 v29, v1;
	v7 =	vld.idx.msk [tilespmem:v21+s19+$0x0], $0xffff;
	[tilespmem:s0+$0xFFFFFF00] =	vst v17;
	v17 =	vadd.f32 v24, v23  }
0xb1: {  	v25 =	vadd.f32 v5, v25;
	v8 =	vld.idx.msk [tilespmem:v26+s19+$0x0], $0xffff;
	[tilespmem:s0+$0xFFFFFF80] =	vst v9  }
0xb2: {  	v21 =	vmul.f32 v27, v0;
	v5 =	vmov v13;
	v9 =	vld.idx.msk [tilespmem:v22+s19+$0x0], $0xffff;
	v22 =	vmul.f32 v14, v1;
	[tilespmem:s0+$0x0] =	vst v10  }
0xb3: {  	s3 =	sadd.s32 $0x1000, s3;
	s11 =	sadd.s32 $0x8, s11;
	v13 =	vmul.f32 v12, v0;
	v10 =	vld.idx.msk [tilespmem:v18+s19+$0x0], $0xffff;
	[tilespmem:s0+$0x80] =	vst v15  }
0xb4: {  	s5 =	sadd.s32 $0x200, s3;
	p1 =	slt.u32 s11, $0x10;
	v14 =	vmul.f32 v20, v1;
	v12 =	vld.idx.msk [tilespmem:v19+s19+$0x0], $0xffff;
	v18 =	vadd.f32 v22, v21;
	[tilespmem:s0+$0x100] =	vst v17  }
.Ltmp4:
0xb5: {  	s13 =	sadd.s32 $0xE00, s3;
	v29 =	vadd.s32 s3, v4;
	v27 =	vadd.s32 s3, v6;
	v17 =	vmul.f32 v28, v0;
	s0 =	sadd.s32 $0x1800, s0;
	v15 =	vld.idx.msk [tilespmem:v16+s19+$0x0], $0xffff;
	(pc) =	sbr.rel @p1 .LBB2_12-.Ltmp4, $4  }
0xb6: {  	s14 =	sadd.s32 $0x600, s3;
	v32 =	vadd.s32 s13, v3;
	v24 =	vadd.s32 s5, v3;
	v23 =	vadd.s32 s5, v2;
	s5 =	sadd.s32 $0x400, s3;
	v20 =	vld.idx.msk [tilespmem:v11+s19+$0x0], $0xffff;
	[tilespmem:s0+$0x180] =	vst v18  }
0xb7: {  	s15 =	sadd.s32 $0xA00, s3;
	v33 =	vadd.s32 s13, v2;
	v28 =	vadd.s32 s5, v3;
	v21 =	vadd.s32 s5, v2;
	s5 =	sadd.s32 $0x800, s3;
	[tilespmem:s0+$0xFFFFFE00] =	vst v25;
	v25 =	vld.idx.msk [tilespmem:v34+s19+$0x0], $0xffff  }
0xb8: {  	s13 =	sadd.s32 $0xC00, s3;
	v26 =	vadd.s32 s14, v3;
	v22 =	vadd.s32 s14, v2;
	v18 =	vadd.s32 s5, v3;
	v30 =	vld.idx.msk [tilespmem:v35+s19+$0x0], $0xffff  }
0xb9: {  	v19 =	vadd.s32 s5, v2;
	v16 =	vadd.s32 s15, v3;
	v11 =	vadd.s32 s15, v2;
	v31 =	vld.idx.msk [tilespmem:v36+s19+$0x0], $0xffff  }
0xba: {  	_ =	sdelay $0x3  }
0xbb: {  	v4 =	vld.idx.msk [tilespmem:v32+s19+$0x0], $0xffff  }
0xbc: {  	v6 =	vld.idx.msk [tilespmem:v33+s19+$0x0], $0xffff  }
0xbd: {  	v24 =	vld.idx.msk [tilespmem:v24+s19+$0x0], $0xffff  }
0xbe: {  	v23 =	vld.idx.msk [tilespmem:v23+s19+$0x0], $0xffff  }
0xbf: {  	v27 =	vld.idx.msk [tilespmem:v28+s19+$0x0], $0xffff  }
0xc0: {  	v21 =	vld.idx.msk [tilespmem:v21+s19+$0x0], $0xffff  }
0xc1: {  	v7 =	vmul.f32 v7, v1;
	v3 =	vadd.s32 s13, v3;
	v40 =	vld.idx.msk [tilespmem:v26+s19+$0x0], $0xffff  }
0xc2: {  	v8 =	vmul.f32 v8, v0;
	v9 =	vmul.f32 v9, v1;
	v13 =	vadd.f32 v14, v13;
	v41 =	vld.idx.msk [tilespmem:v22+s19+$0x0], $0xffff  }
0xc3: {  	v10 =	vmul.f32 v10, v0;
	v12 =	vmul.f32 v12, v1;
	v43 =	vld.idx.msk [tilespmem:v18+s19+$0x0], $0xffff;
	v7 =	vadd.f32 v7, v17  }
0xc4: {  	v2 =	vadd.s32 s13, v2;
	v15 =	vmul.f32 v15, v0;
	v46 =	vld.idx.msk [tilespmem:v19+s19+$0x0], $0xffff;
	v8 =	vadd.f32 v9, v8;
	[tilespmem:s0+$0xFFFFFE80] =	vst v13  }
0xc5: {  	v48 =	vld.idx.msk [tilespmem:v16+s19+$0x0], $0xffff;
	v42 =	vmul.f32 v20, v1;
	v10 =	vadd.f32 v12, v10;
	[tilespmem:s0+$0xFFFFFF00] =	vst v7  }
0xc6: {  	v49 =	vld.idx.msk [tilespmem:v11+s19+$0x0], $0xffff;
	v44 =	vmul.f32 v25, v0;
	v45 =	vmul.f32 v30, v1;
	[tilespmem:s0+$0xFFFFFF80] =	vst v8  }
0xc7: {  	v15 =	vadd.f32 v42, v15;
	v47 =	vmul.f32 v31, v0;
	[tilespmem:s0+$0x0] =	vst v10;
	v4 =	vmul.f32 v4, v0  }
0xc8: {  	v6 =	vmul.f32 v6, v1;
	v50 =	vadd.f32 v45, v44;
	v51 =	vmul.f32 v24, v0;
	v3 =	vld.idx.msk [tilespmem:v3+s19+$0x0], $0xffff  }
0xc9: {  	[tilespmem:s0+$0x80] =	vst v15;
	v52 =	vmul.f32 v23, v1;
	v2 =	vld.idx.msk [tilespmem:v2+s19+$0x0], $0xffff;
	v5 =	vadd.f32 v5, v47  }
0xca: {  	s15 =	sadd.s32 $0x1800, s0;
	v53 =	vmul.f32 v27, v0;
	v54 =	vmul.f32 v21, v1;
	v4 =	vadd.f32 v6, v4;
	[tilespmem:s0+$0x100] =	vst v50  }
0xcb: {  	v56 =	vmul.f32 v40, v0;
	v9 =	vmul.f32 v41, v1;
	v55 =	vadd.f32 v52, v51;
	[tilespmem:s15+$0xFFFFFE00] =	vst v5  }
0xcc: {  	s31 =	sadd.s32 $0x1, s31;
	v58 =	vmul.f32 v43, v0;
	v59 =	vmul.f32 v46, v1;
	v57 =	vadd.f32 v54, v53;
	[tilespmem:s15+$0x180] =	vst v4  }
0xcd: {  	p1 =	sne.s32 s31, $0x30;
	v7 =	vmul.f32 v48, v0;
	v8 =	vmul.f32 v49, v1;
	v9 =	vadd.f32 v9, v56;
	[tilespmem:s15+$0xFFFFFE80] =	vst v55  }
.Ltmp5:
0xce: {  	v60 =	vadd.f32 v59, v58;
	[tilespmem:s15+$0xFFFFFF00] =	vst v57;
	v61 =	vmul.f32 v3, v0;
	v62 =	vmul.f32 v2, v1;
	(pc) =	sbr.rel @p1 .LBB2_11-.Ltmp5, $4  }
0xcf: {  	v63 =	vadd.f32 v8, v7;
	[tilespmem:s15+$0xFFFFFF80] =	vst v9  }
0xd0: {  	[tilespmem:s15+$0x0] =	vst v60;
	v0 =	vadd.f32 v62, v61  }
0xd1: {  	[tilespmem:s15+$0x80] =	vst v63  }
0xd2: {  	s30 =	sadd.s32 $0x80, s30;
	s29 =	sadd.s32 $0x1, s29;
	[tilespmem:s15+$0x100] =	vst v0  }
0xd3: {  	s0 =	simm.s32 $0x6C0000;
	s3 =	smul.u32 $0x12000, s26  }
0xd4: {  	s0 =	simm.s32 @!p0 $0x0  }
0xd5: {  	s26 =	sadd.s32 s0, s3  }
0xd6: {  	s29 =	simm.s32 $0xFEB50;
	s0 =	sshrl.u32 s26, $0x3  }
0xd7: {  	s30 =	simm.s32 $0x10040;
	s31 =	sadd.s32 s1, s0;
	s0 =	simm.s32 $0x0  }
0xd8: {  	[hbm4b:s31+s0] =	stream.linear.scatter [tilespmem:s20], [sflag:$0x3], $0x4800, $0x38;
	[tilespmem:$0x1CF00] =	vst v63  }
.LBB2_15:
0xd9: {  	s3 =	sshrl.u32 s29, $0x7;
	s5 =	sshrl.u32 s29, $0x5;
	s13 =	sshll.u32 s0, $0x4  }
0xda: {  	s11 =	sand.u32 $0x1FFFE00, s3;
	s5 =	sand.u32 $0x7FFC000, s5;
	s3 =	sand.u32 $0xE00, s3  }
0xdb: {  	s13 =	sadd.s32 $0x180, s13;
	s3 =	sor.u32 s3, s5  }
0xdc: {  	s11 =	sadd.s32 $0x200, s11;
	s13 =	sand.u32 $0x3FFFFFF0, s13;
	s3 =	sshrl.u32 s3, $0x2  }
0xdd: {  	s15 =	sshll.u32 s11, $0x2;
	v0 =	vld [tilespmem:s13+$0x1C000];
	s14 =	sor.u32 $0x40, s3  }
0xde: {  	s11 =	sand.u32 $0xE00, s11;
	s5 =	sand.u32 $0xFFFC000, s15;
	v2 =	vld [tilespmem:s14+$0x30]  }
0xdf: {  	s5 =	sor.u32 s11, s5;
	v4 =	vld [tilespmem:s14+$0xFFFFFFD0]  }
0xe0: {  	v7 =	vld [tilespmem:s14+$0xFFFFFFE0];
	s15 =	sshrl.u32 s5, $0x2  }
0xe1: {  	v9 =	vld [tilespmem:s14+$0xFFFFFFF0];
	s3 =	sor.u32 $0x40, s15  }
0xe2: {  	v3 =	vld [tilespmem:s3+$0x30]  }
0xe3: {  	v6 =	vld [tilespmem:s3+$0xFFFFFFD0]  }
0xe4: {  	v8 =	vld [tilespmem:s3+$0xFFFFFFE0]  }
0xe5: {  	v11 =	vld [tilespmem:s14+$0x0];
	v1 =	vsub.f32 $1.000000000e+00, v0  }
0xe6: {  	v10 =	vld [tilespmem:s3+$0xFFFFFFF0]  }
0xe7: {  	v5 =	vld [tilespmem:s3+$0xFFFFFFC0];
	v2 =	vmul.f32 v2, v0;
	v3 =	vmul.f32 v3, v1  }
0xe8: {  	v13 =	vld [tilespmem:s3+$0x0];
	v12 =	vmul.f32 v4, v0;
	v6 =	vmul.f32 v6, v1  }
0xe9: {  	v7 =	vmul.f32 v7, v0;
	v4 =	vld [tilespmem:s14+$0x10];
	v8 =	vmul.f32 v8, v1;
	v2 =	vadd.f32 v3, v2  }
0xea: {  	v12 =	vadd.f32 v6, v12;
	v3 =	vld [tilespmem:s3+$0x10]  }
0xeb: {  	v9 =	vmul.f32 v9, v0;
	v10 =	vmul.f32 v10, v1;
	v14 =	vadd.f32 v8, v7;
	v6 =	vld [tilespmem:s14+$0x20];
	[tilespmem:s30+$0x30] =	vst v2  }
0xec: {  	v7 =	vld [tilespmem:s3+$0x20];
	v8 =	vmul.f32 v11, v0;
	[tilespmem:s30+$0xFFFFFFD0] =	vst v12  }
0xed: {  	s28 =	simm.s32 $0x0;
	s31 =	sadd.s32 $0x400, s14;
	s11 =	smov.u32 s30;
	v9 =	vadd.f32 v10, v9;
	v10 =	vmul.f32 v13, v1;
	v2 =	vmul.f32 v5, v1;
	v5 =	vld [tilespmem:s14+$0xFFFFFFC0];
	[tilespmem:s30+$0xFFFFFFE0] =	vst v14  }
.LBB2_16:
0xee: {  	v11 =	vld [tilespmem:s31+$0x30];
	v4 =	vmul.f32 v4, v0;
	s3 =	sadd.s32 $0x400, s3  }
0xef: {  	s28 =	sadd.s32 $0x8, s28;
	v12 =	vld [tilespmem:s3+$0x30];
	[tilespmem:s11+$0xFFFFFFF0] =	vst v9;
	v8 =	vadd.f32 v10, v8;
	v3 =	vmul.f32 v3, v1  }
0xf0: {  	p0 =	slt.u32 s28, $0x18;
	v9 =	vld [tilespmem:s3+$0xFFFFFFC0];
	v6 =	vmul.f32 v6, v0  }
0xf1: {  	v10 =	vld [tilespmem:s31+$0xFFFFFFD0];
	[tilespmem:s11+$0x0] =	vst v8;
	v3 =	vadd.f32 v3, v4;
	v4 =	vmul.f32 v7, v1  }
0xf2: {  	v7 =	vld [tilespmem:s3+$0xFFFFFFD0];
	v5 =	vmul.f32 v5, v0  }
0xf3: {  	v8 =	vld [tilespmem:s31+$0xFFFFFFE0];
	[tilespmem:s11+$0x10] =	vst v3;
	v3 =	vadd.f32 v4, v6  }
0xf4: {  	v6 =	vmul.f32 v11, v0;
	v4 =	vld [tilespmem:s3+$0xFFFFFFE0];
	v11 =	vmul.f32 v12, v1;
	v5 =	vadd.f32 v2, v5  }
0xf5: {  	v2 =	vmul.f32 v9, v1;
	v9 =	vld [tilespmem:s31+$0xFFFFFFF0];
	[tilespmem:s11+$0x20] =	vst v3  }
0xf6: {  	v3 =	vmul.f32 v10, v0;
	v10 =	vld [tilespmem:s3+$0xFFFFFFF0];
	v6 =	vadd.f32 v11, v6;
	[tilespmem:s11+$0xFFFFFFC0] =	vst v5  }
0xf7: {  	s11 =	sadd.s32 $0x80, s11;
	v5 =	vmul.f32 v7, v1;
	v7 =	vld [tilespmem:s31+$0x0]  }
0xf8: {  	v8 =	vmul.f32 v8, v0;
	v11 =	vld [tilespmem:s3+$0x0];
	[tilespmem:s11+$0x30] =	vst v6  }
.Ltmp6:
0xf9: {  	v5 =	vadd.f32 v5, v3;
	v6 =	vmul.f32 v4, v1;
	v4 =	vld [tilespmem:s31+$0x10];
	(pc) =	sbr.rel @p0 .LBB2_16-.Ltmp6, $4  }
0xfa: {  	v9 =	vmul.f32 v9, v0;
	v3 =	vld [tilespmem:s3+$0x10]  }
0xfb: {  	[tilespmem:s11+$0xFFFFFFD0] =	vst v5;
	v12 =	vadd.f32 v6, v8;
	v10 =	vmul.f32 v10, v1;
	v6 =	vld [tilespmem:s31+$0x20]  }
0xfc: {  	v8 =	vmul.f32 v7, v0;
	v7 =	vld [tilespmem:s3+$0x20]  }
0xfd: {  	v5 =	vld [tilespmem:s31+$0xFFFFFFC0];
	[tilespmem:s11+$0xFFFFFFE0] =	vst v12;
	v9 =	vadd.f32 v10, v9;
	v10 =	vmul.f32 v11, v1;
	s31 =	sadd.s32 $0x400, s31  }
0xfe: {  	_ =	sdelay $0x1  }
0xff: {  	v4 =	vmul.f32 v4, v0;
	s0 =	sadd.s32 $0x1, s0;
	v3 =	vmul.f32 v3, v1  }
0x100: {  	v8 =	vadd.f32 v10, v8;
	p0 =	sne.s32 s0, $0x18;
	v6 =	vmul.f32 v6, v0;
	v62 =	vmul.f32 v7, v1  }
.Ltmp7:
0x101: {  	[tilespmem:s11+$0xFFFFFFF0] =	vst v9;
	v3 =	vadd.f32 v3, v4;
	v63 =	vmul.f32 v5, v0;
	(pc) =	sbr.rel @p0 .LBB2_15-.Ltmp7, $4  }
0x102: {  	[tilespmem:s11+$0x0] =	vst v8;
	v1 =	vadd.f32 v62, v6  }
0x103: {  	[tilespmem:s11+$0x10] =	vst v3;
	v0 =	vadd.f32 v2, v63  }
0x104: {  	[tilespmem:s11+$0x20] =	vst v1  }
0x105: {  	s29 =	sadd.s32 $0xA9CE, s29;
	s30 =	sadd.s32 $0x200, s30;
	s28 =	simm.s32 $0x0;
	[tilespmem:s11+$0xFFFFFFC0] =	vst v0  }
0x106: {  	s29 =	simm.s32 $0x0;
	s30 =	simm.s32 $0x0;
	s31 =	simm.s32 $0x0  }
.LBB2_19:
0x107: {  	s0 =	sshll.u32 s31, $0x4  }
0x108: {  	v2 =	vld [tilespmem:s0+$0x1C900]  }
0x109: {  	v3 =	vld [tilespmem:s0+$0x1C600];
	_ =	sdelay $0x3  }
0x10a: {  	s3 =	simm.s32 $0xE00  }
0x10b: {  	v5 =	vadd.s32 s3, v3  }
0x10c: {  	s15 =	simm.s32 $0x200;
	v6 =	vadd.s32 s3, v2  }
0x10d: {  	v0 =	vld [tilespmem:s0+$0x1CC00];
	v8 =	vadd.s32 s15, v3  }
0x10e: {  	s5 =	simm.s32 $0x600;
	v9 =	vadd.s32 s15, v2;
	v7 =	vld.idx.msk [tilespmem:v2+s19+$0x0], $0xffff  }
0x10f: {  	v14 =	vadd.s32 s5, v3;
	v10 =	vld.idx.msk [tilespmem:v3+s19+$0x0], $0xffff  }
0x110: {  	v4 =	vadd.s32 $0x1000, v2;
	v16 =	vadd.s32 s5, v2;
	v5 =	vld.idx.msk [tilespmem:v5+s19+$0x0], $0xffff  }
0x111: {  	s14 =	simm.s32 $0xC00;
	v1 =	vadd.s32 s28, v4;
	v15 =	vld.idx.msk [tilespmem:v6+s19+$0x0], $0xffff  }
0x112: {  	s3 =	simm.s32 $0x400;
	v30 =	vadd.s32 s14, v2;
	v17 =	vld.idx.msk [tilespmem:v8+s19+$0x0], $0xffff  }
0x113: {  	v11 =	vadd.s32 s3, v3;
	v19 =	vld.idx.msk [tilespmem:v9+s19+$0x0], $0xffff  }
0x114: {  	s11 =	simm.s32 $0x800;
	v13 =	vadd.s32 s3, v2;
	v8 =	vld.idx.msk [tilespmem:v14+s19+$0x0], $0xffff  }
0x115: {  	s13 =	simm.s32 $0xA00;
	v18 =	vadd.s32 s11, v3;
	v20 =	vadd.s32 s11, v2;
	v9 =	vld.idx.msk [tilespmem:v16+s19+$0x0], $0xffff  }
0x116: {  	v22 =	vadd.s32 s13, v3;
	v25 =	vadd.s32 s13, v2;
	s15 =	sshll.u32 s30, $0x2;
	s5 =	sand.u32 $0x7, s29;
	s13 =	simm.s32 $0x1200;
	v12 =	vld.idx.msk [tilespmem:v1+s19+$0x0], $0xffff;
	v1 =	vsub.f32 $1.000000000e+00, v0  }
0x117: {  	v26 =	vadd.s32 s14, v3;
	s14 =	simm.s32 $0x1400;
	s11 =	sand.u32 $0xFFFFF000, s15;
	s5 =	sshll.u32 s5, $0x6;
	v24 =	vadd.s32 s13, v3;
	v23 =	vadd.s32 s13, v2;
	v30 =	vld.idx.msk [tilespmem:v30+s19+$0x0], $0xffff  }
0x118: {  	s3 =	simm.s32 $0x1000;
	v28 =	vadd.s32 s14, v3;
	s0 =	sor.u32 s5, s11;
	s11 =	simm.s32 $0x1E00;
	v11 =	vld.idx.msk [tilespmem:v11+s19+$0x0], $0xffff;
	v21 =	vmul.f32 v7, v1;
	v10 =	vmul.f32 v10, v0  }
0x119: {  	v29 =	vadd.s32 s3, v4;
	v32 =	vadd.s32 s11, v3;
	v6 =	vadd.s32 $0x1000, v3;
	v7 =	vld.idx.msk [tilespmem:v13+s19+$0x0], $0xffff  }
0x11a: {  	v31 =	vadd.s32 s28, v6;
	v16 =	vmul.f32 v5, v0;
	v34 =	vadd.f32 v21, v10;
	v10 =	vld.idx.msk [tilespmem:v18+s19+$0x0], $0xffff  }
0x11b: {  	v33 =	vadd.s32 s11, v2;
	v15 =	vmul.f32 v15, v1;
	v5 =	vmul.f32 v12, v1;
	v12 =	vld.idx.msk [tilespmem:v20+s19+$0x0], $0xffff  }
0x11c: {  	s15 =	simm.s32 $0x1800;
	s0 =	sshrl.u32 s0, $0x2;
	v27 =	vadd.s32 s3, v6;
	v13 =	vmul.f32 v17, v0;
	v14 =	vmul.f32 v19, v1;
	v20 =	vld.idx.msk [tilespmem:v25+s19+$0x0], $0xffff  }
0x11d: {  	s13 =	simm.s32 $0x1600;
	s0 =	sadd.s32 $0x17A00, s0;
	v21 =	vadd.s32 s14, v2;
	v18 =	vadd.s32 s15, v3;
	v25 =	vld.idx.msk [tilespmem:v26+s19+$0x0], $0xffff;
	v16 =	vadd.f32 v15, v16  }
0x11e: {  	s14 =	simm.s32 $0x1A00;
	v19 =	vadd.s32 s15, v2;
	v17 =	vmul.f32 v11, v0;
	v26 =	vadd.s32 s13, v3;
	v15 =	vld.idx.msk [tilespmem:v22+s19+$0x0], $0xffff;
	[tilespmem:s0+$0xFFFFFE00] =	vst v34  }
0x11f: {  	s11 =	simm.s32 $0x8;
	v31 =	vld.idx.msk [tilespmem:v31+s19+$0x0], $0xffff;
	v11 =	vadd.s32 s14, v2;
	v22 =	vadd.s32 s13, v2;
	s13 =	simm.s32 $0x1C00;
	[tilespmem:s0+$0x180] =	vst v16;
	v16 =	vadd.s32 s14, v3  }
.LBB2_20:
0x120: {  	v29 =	vld.idx.msk [tilespmem:v29+s19+$0x0], $0xffff;
	v34 =	vadd.s32 s13, v3;
	v35 =	vadd.s32 s13, v2;
	v7 =	vmul.f32 v7, v1;
	v36 =	vmovc v27  }
0x121: {  	v13 =	vadd.f32 v14, v13;
	v8 =	vmul.f32 v8, v0;
	v9 =	vmul.f32 v9, v1;
	v27 =	vld.idx.msk [tilespmem:v32+s19+$0x0], $0xffff  }
0x122: {  	v14 =	vld.idx.msk [tilespmem:v33+s19+$0x0], $0xffff;
	v17 =	vadd.f32 v7, v17;
	v7 =	vmul.f32 v10, v0;
	v10 =	vmul.f32 v12, v1  }
0x123: {  	v9 =	vadd.f32 v9, v8;
	v8 =	vmul.f32 v15, v0;
	v15 =	vmul.f32 v20, v1;
	v12 =	vld.idx.msk [tilespmem:v24+s19+$0x0], $0xffff  }
0x124: {  	v24 =	vmul.f32 v30, v1;
	v20 =	vld.idx.msk [tilespmem:v23+s19+$0x0], $0xffff;
	v10 =	vadd.f32 v10, v7;
	v23 =	vmul.f32 v25, v0  }
0x125: {  	v25 =	vmul.f32 v31, v0;
	v15 =	vadd.f32 v15, v8;
	v28 =	vld.idx.msk [tilespmem:v28+s19+$0x0], $0xffff;
	[tilespmem:s0+$0xFFFFFE80] =	vst v13  }
0x126: {  	v13 =	vmul.f32 v29, v1;
	v7 =	vld.idx.msk [tilespmem:v21+s19+$0x0], $0xffff;
	[tilespmem:s0+$0xFFFFFF00] =	vst v17;
	v17 =	vadd.f32 v24, v23  }
0x127: {  	v25 =	vadd.f32 v5, v25;
	v8 =	vld.idx.msk [tilespmem:v26+s19+$0x0], $0xffff;
	[tilespmem:s0+$0xFFFFFF80] =	vst v9  }
0x128: {  	v21 =	vmul.f32 v27, v0;
	v5 =	vmov v13;
	v9 =	vld.idx.msk [tilespmem:v22+s19+$0x0], $0xffff;
	v22 =	vmul.f32 v14, v1;
	[tilespmem:s0+$0x0] =	vst v10  }
0x129: {  	s3 =	sadd.s32 $0x1000, s3;
	s11 =	sadd.s32 $0x8, s11;
	v13 =	vmul.f32 v12, v0;
	v10 =	vld.idx.msk [tilespmem:v18+s19+$0x0], $0xffff;
	[tilespmem:s0+$0x80] =	vst v15  }
0x12a: {  	s5 =	sadd.s32 $0x200, s3;
	p0 =	slt.u32 s11, $0x10;
	v14 =	vmul.f32 v20, v1;
	v12 =	vld.idx.msk [tilespmem:v19+s19+$0x0], $0xffff;
	v18 =	vadd.f32 v22, v21;
	[tilespmem:s0+$0x100] =	vst v17  }
.Ltmp8:
0x12b: {  	s13 =	sadd.s32 $0xE00, s3;
	v29 =	vadd.s32 s3, v4;
	v27 =	vadd.s32 s3, v6;
	v17 =	vmul.f32 v28, v0;
	s0 =	sadd.s32 $0x1800, s0;
	v15 =	vld.idx.msk [tilespmem:v16+s19+$0x0], $0xffff;
	(pc) =	sbr.rel @p0 .LBB2_20-.Ltmp8, $4  }
0x12c: {  	s14 =	sadd.s32 $0x600, s3;
	v32 =	vadd.s32 s13, v3;
	v24 =	vadd.s32 s5, v3;
	v23 =	vadd.s32 s5, v2;
	s5 =	sadd.s32 $0x400, s3;
	v20 =	vld.idx.msk [tilespmem:v11+s19+$0x0], $0xffff;
	[tilespmem:s0+$0x180] =	vst v18  }
0x12d: {  	s15 =	sadd.s32 $0xA00, s3;
	v33 =	vadd.s32 s13, v2;
	v28 =	vadd.s32 s5, v3;
	v21 =	vadd.s32 s5, v2;
	s5 =	sadd.s32 $0x800, s3;
	[tilespmem:s0+$0xFFFFFE00] =	vst v25;
	v25 =	vld.idx.msk [tilespmem:v34+s19+$0x0], $0xffff  }
0x12e: {  	s13 =	sadd.s32 $0xC00, s3;
	v26 =	vadd.s32 s14, v3;
	v22 =	vadd.s32 s14, v2;
	v18 =	vadd.s32 s5, v3;
	v30 =	vld.idx.msk [tilespmem:v35+s19+$0x0], $0xffff  }
0x12f: {  	v19 =	vadd.s32 s5, v2;
	v16 =	vadd.s32 s15, v3;
	v11 =	vadd.s32 s15, v2;
	v31 =	vld.idx.msk [tilespmem:v36+s19+$0x0], $0xffff  }
0x130: {  	_ =	sdelay $0x3  }
0x131: {  	v4 =	vld.idx.msk [tilespmem:v32+s19+$0x0], $0xffff  }
0x132: {  	v6 =	vld.idx.msk [tilespmem:v33+s19+$0x0], $0xffff  }
0x133: {  	v24 =	vld.idx.msk [tilespmem:v24+s19+$0x0], $0xffff  }
0x134: {  	v23 =	vld.idx.msk [tilespmem:v23+s19+$0x0], $0xffff  }
0x135: {  	v27 =	vld.idx.msk [tilespmem:v28+s19+$0x0], $0xffff  }
0x136: {  	v21 =	vld.idx.msk [tilespmem:v21+s19+$0x0], $0xffff  }
0x137: {  	v7 =	vmul.f32 v7, v1;
	v3 =	vadd.s32 s13, v3;
	v40 =	vld.idx.msk [tilespmem:v26+s19+$0x0], $0xffff  }
0x138: {  	v8 =	vmul.f32 v8, v0;
	v9 =	vmul.f32 v9, v1;
	v13 =	vadd.f32 v14, v13;
	v41 =	vld.idx.msk [tilespmem:v22+s19+$0x0], $0xffff  }
0x139: {  	v10 =	vmul.f32 v10, v0;
	v12 =	vmul.f32 v12, v1;
	v43 =	vld.idx.msk [tilespmem:v18+s19+$0x0], $0xffff;
	v7 =	vadd.f32 v7, v17  }
0x13a: {  	v2 =	vadd.s32 s13, v2;
	v15 =	vmul.f32 v15, v0;
	v46 =	vld.idx.msk [tilespmem:v19+s19+$0x0], $0xffff;
	v8 =	vadd.f32 v9, v8;
	[tilespmem:s0+$0xFFFFFE80] =	vst v13  }
0x13b: {  	v48 =	vld.idx.msk [tilespmem:v16+s19+$0x0], $0xffff;
	v42 =	vmul.f32 v20, v1;
	v10 =	vadd.f32 v12, v10;
	[tilespmem:s0+$0xFFFFFF00] =	vst v7  }
0x13c: {  	v49 =	vld.idx.msk [tilespmem:v11+s19+$0x0], $0xffff;
	v44 =	vmul.f32 v25, v0;
	v45 =	vmul.f32 v30, v1;
	[tilespmem:s0+$0xFFFFFF80] =	vst v8  }
0x13d: {  	v15 =	vadd.f32 v42, v15;
	v47 =	vmul.f32 v31, v0;
	[tilespmem:s0+$0x0] =	vst v10;
	v4 =	vmul.f32 v4, v0  }
0x13e: {  	v6 =	vmul.f32 v6, v1;
	v50 =	vadd.f32 v45, v44;
	v51 =	vmul.f32 v24, v0;
	v3 =	vld.idx.msk [tilespmem:v3+s19+$0x0], $0xffff  }
0x13f: {  	[tilespmem:s0+$0x80] =	vst v15;
	v52 =	vmul.f32 v23, v1;
	v2 =	vld.idx.msk [tilespmem:v2+s19+$0x0], $0xffff;
	v5 =	vadd.f32 v5, v47  }
0x140: {  	s15 =	sadd.s32 $0x1800, s0;
	v53 =	vmul.f32 v27, v0;
	v54 =	vmul.f32 v21, v1;
	v4 =	vadd.f32 v6, v4;
	[tilespmem:s0+$0x100] =	vst v50  }
0x141: {  	v56 =	vmul.f32 v40, v0;
	v9 =	vmul.f32 v41, v1;
	v55 =	vadd.f32 v52, v51;
	[tilespmem:s15+$0xFFFFFE00] =	vst v5  }
0x142: {  	s31 =	sadd.s32 $0x1, s31;
	v58 =	vmul.f32 v43, v0;
	v59 =	vmul.f32 v46, v1;
	v57 =	vadd.f32 v54, v53;
	[tilespmem:s15+$0x180] =	vst v4  }
0x143: {  	p0 =	sne.s32 s31, $0x30;
	v7 =	vmul.f32 v48, v0;
	v8 =	vmul.f32 v49, v1;
	v9 =	vadd.f32 v9, v56;
	[tilespmem:s15+$0xFFFFFE80] =	vst v55  }
.Ltmp9:
0x144: {  	v60 =	vadd.f32 v59, v58;
	[tilespmem:s15+$0xFFFFFF00] =	vst v57;
	v61 =	vmul.f32 v3, v0;
	v62 =	vmul.f32 v2, v1;
	(pc) =	sbr.rel @p0 .LBB2_19-.Ltmp9, $4  }
0x145: {  	v63 =	vadd.f32 v8, v7;
	[tilespmem:s15+$0xFFFFFF80] =	vst v9  }
0x146: {  	[tilespmem:s15+$0x0] =	vst v60;
	v0 =	vadd.f32 v62, v61  }
0x147: {  	[tilespmem:s15+$0x80] =	vst v63  }
0x148: {  	s30 =	sadd.s32 $0x80, s30;
	s29 =	sadd.s32 $0x1, s29;
	[tilespmem:s15+$0x100] =	vst v0  }
0x149: {  	s0 =	sadd.s32 $0x4800, s26  }
0x14a: {  	s0 =	sshrl.u32 s0, $0x3  }
0x14b: {  	s3 =	sadd.s32 s1, s0;
	s0 =	simm.s32 $0x0  }
0x14c: {  	[hbm4b:s3+s0] =	stream.linear.scatter [tilespmem:s21], [sflag:$0x4], $0x4800, $0x38;
	[tilespmem:$0x1CF00] =	vst v63  }
0x14d: {  	_ =	swait.ge [sflag:s22], $0x4800  }
0x14e: {  	[sflag:s22] =	ssyncset.done $0x0  }
0x14f: {  	s29 =	simm.s32 $0x1FD6A0;
	s30 =	simm.s32 $0x10040;
	[sflag:s22] =	ssyncadd.s32 $0xFFFFB800  }
.LBB2_23:
0x150: {  	s3 =	sshrl.u32 s29, $0x7;
	s5 =	sshrl.u32 s29, $0x5;
	s13 =	sshll.u32 s0, $0x4  }
0x151: {  	s11 =	sand.u32 $0x1FFFE00, s3;
	s5 =	sand.u32 $0x7FFC000, s5;
	s3 =	sand.u32 $0xE00, s3  }
0x152: {  	s13 =	sadd.s32 $0x300, s13;
	s3 =	sor.u32 s3, s5  }
0x153: {  	s11 =	sadd.s32 $0x200, s11;
	s13 =	sand.u32 $0x3FFFFFF0, s13;
	s3 =	sshrl.u32 s3, $0x2  }
0x154: {  	s15 =	sshll.u32 s11, $0x2;
	v0 =	vld [tilespmem:s13+$0x1C000];
	s14 =	sor.u32 $0x40, s3  }
0x155: {  	s11 =	sand.u32 $0xE00, s11;
	s5 =	sand.u32 $0xFFFC000, s15;
	v2 =	vld [tilespmem:s14+$0x30]  }
0x156: {  	s5 =	sor.u32 s11, s5;
	v4 =	vld [tilespmem:s14+$0xFFFFFFD0]  }
0x157: {  	v7 =	vld [tilespmem:s14+$0xFFFFFFE0];
	s15 =	sshrl.u32 s5, $0x2  }
0x158: {  	v9 =	vld [tilespmem:s14+$0xFFFFFFF0];
	s3 =	sor.u32 $0x40, s15  }
0x159: {  	v3 =	vld [tilespmem:s3+$0x30]  }
0x15a: {  	v6 =	vld [tilespmem:s3+$0xFFFFFFD0]  }
0x15b: {  	v8 =	vld [tilespmem:s3+$0xFFFFFFE0]  }
0x15c: {  	v11 =	vld [tilespmem:s14+$0x0];
	v1 =	vsub.f32 $1.000000000e+00, v0  }
0x15d: {  	v10 =	vld [tilespmem:s3+$0xFFFFFFF0]  }
0x15e: {  	v5 =	vld [tilespmem:s3+$0xFFFFFFC0];
	v2 =	vmul.f32 v2, v0;
	v3 =	vmul.f32 v3, v1  }
0x15f: {  	v13 =	vld [tilespmem:s3+$0x0];
	v12 =	vmul.f32 v4, v0;
	v6 =	vmul.f32 v6, v1  }
0x160: {  	v7 =	vmul.f32 v7, v0;
	v4 =	vld [tilespmem:s14+$0x10];
	v8 =	vmul.f32 v8, v1;
	v2 =	vadd.f32 v3, v2  }
0x161: {  	v12 =	vadd.f32 v6, v12;
	v3 =	vld [tilespmem:s3+$0x10]  }
0x162: {  	v9 =	vmul.f32 v9, v0;
	v10 =	vmul.f32 v10, v1;
	v14 =	vadd.f32 v8, v7;
	v6 =	vld [tilespmem:s14+$0x20];
	[tilespmem:s30+$0x30] =	vst v2  }
0x163: {  	v7 =	vld [tilespmem:s3+$0x20];
	v8 =	vmul.f32 v11, v0;
	[tilespmem:s30+$0xFFFFFFD0] =	vst v12  }
0x164: {  	s28 =	simm.s32 $0x0;
	s31 =	sadd.s32 $0x400, s14;
	s11 =	smov.u32 s30;
	v9 =	vadd.f32 v10, v9;
	v10 =	vmul.f32 v13, v1;
	v2 =	vmul.f32 v5, v1;
	v5 =	vld [tilespmem:s14+$0xFFFFFFC0];
	[tilespmem:s30+$0xFFFFFFE0] =	vst v14  }
.LBB2_24:
0x165: {  	v11 =	vld [tilespmem:s31+$0x30];
	v4 =	vmul.f32 v4, v0;
	s3 =	sadd.s32 $0x400, s3  }
0x166: {  	s28 =	sadd.s32 $0x8, s28;
	v12 =	vld [tilespmem:s3+$0x30];
	[tilespmem:s11+$0xFFFFFFF0] =	vst v9;
	v8 =	vadd.f32 v10, v8;
	v3 =	vmul.f32 v3, v1  }
0x167: {  	p0 =	slt.u32 s28, $0x18;
	v9 =	vld [tilespmem:s3+$0xFFFFFFC0];
	v6 =	vmul.f32 v6, v0  }
0x168: {  	v10 =	vld [tilespmem:s31+$0xFFFFFFD0];
	[tilespmem:s11+$0x0] =	vst v8;
	v3 =	vadd.f32 v3, v4;
	v4 =	vmul.f32 v7, v1  }
0x169: {  	v7 =	vld [tilespmem:s3+$0xFFFFFFD0];
	v5 =	vmul.f32 v5, v0  }
0x16a: {  	v8 =	vld [tilespmem:s31+$0xFFFFFFE0];
	[tilespmem:s11+$0x10] =	vst v3;
	v3 =	vadd.f32 v4, v6  }
0x16b: {  	v6 =	vmul.f32 v11, v0;
	v4 =	vld [tilespmem:s3+$0xFFFFFFE0];
	v11 =	vmul.f32 v12, v1;
	v5 =	vadd.f32 v2, v5  }
0x16c: {  	v2 =	vmul.f32 v9, v1;
	v9 =	vld [tilespmem:s31+$0xFFFFFFF0];
	[tilespmem:s11+$0x20] =	vst v3  }
0x16d: {  	v3 =	vmul.f32 v10, v0;
	v10 =	vld [tilespmem:s3+$0xFFFFFFF0];
	v6 =	vadd.f32 v11, v6;
	[tilespmem:s11+$0xFFFFFFC0] =	vst v5  }
0x16e: {  	s11 =	sadd.s32 $0x80, s11;
	v5 =	vmul.f32 v7, v1;
	v7 =	vld [tilespmem:s31+$0x0]  }
0x16f: {  	v8 =	vmul.f32 v8, v0;
	v11 =	vld [tilespmem:s3+$0x0];
	[tilespmem:s11+$0x30] =	vst v6  }
.Ltmp10:
0x170: {  	v5 =	vadd.f32 v5, v3;
	v6 =	vmul.f32 v4, v1;
	v4 =	vld [tilespmem:s31+$0x10];
	(pc) =	sbr.rel @p0 .LBB2_24-.Ltmp10, $4  }
0x171: {  	v9 =	vmul.f32 v9, v0;
	v3 =	vld [tilespmem:s3+$0x10]  }
0x172: {  	[tilespmem:s11+$0xFFFFFFD0] =	vst v5;
	v12 =	vadd.f32 v6, v8;
	v10 =	vmul.f32 v10, v1;
	v6 =	vld [tilespmem:s31+$0x20]  }
0x173: {  	v8 =	vmul.f32 v7, v0;
	v7 =	vld [tilespmem:s3+$0x20]  }
0x174: {  	v5 =	vld [tilespmem:s31+$0xFFFFFFC0];
	[tilespmem:s11+$0xFFFFFFE0] =	vst v12;
	v9 =	vadd.f32 v10, v9;
	v10 =	vmul.f32 v11, v1;
	s31 =	sadd.s32 $0x400, s31  }
0x175: {  	_ =	sdelay $0x1  }
0x176: {  	v4 =	vmul.f32 v4, v0;
	s0 =	sadd.s32 $0x1, s0;
	v3 =	vmul.f32 v3, v1  }
0x177: {  	v8 =	vadd.f32 v10, v8;
	p0 =	sne.s32 s0, $0x18;
	v6 =	vmul.f32 v6, v0;
	v62 =	vmul.f32 v7, v1  }
.Ltmp11:
0x178: {  	[tilespmem:s11+$0xFFFFFFF0] =	vst v9;
	v3 =	vadd.f32 v3, v4;
	v63 =	vmul.f32 v5, v0;
	(pc) =	sbr.rel @p0 .LBB2_23-.Ltmp11, $4  }
0x179: {  	[tilespmem:s11+$0x0] =	vst v8;
	v1 =	vadd.f32 v62, v6  }
0x17a: {  	[tilespmem:s11+$0x10] =	vst v3;
	v0 =	vadd.f32 v2, v63  }
0x17b: {  	[tilespmem:s11+$0x20] =	vst v1  }
0x17c: {  	s29 =	sadd.s32 $0xA9CE, s29;
	s30 =	sadd.s32 $0x200, s30;
	s28 =	simm.s32 $0x0;
	[tilespmem:s11+$0xFFFFFFC0] =	vst v0  }
0x17d: {  	s29 =	simm.s32 $0x0;
	s30 =	simm.s32 $0x0;
	s31 =	simm.s32 $0x0  }
.LBB2_27:
0x17e: {  	s0 =	sshll.u32 s31, $0x4  }
0x17f: {  	v2 =	vld [tilespmem:s0+$0x1C900]  }
0x180: {  	v3 =	vld [tilespmem:s0+$0x1C600];
	_ =	sdelay $0x3  }
0x181: {  	s3 =	simm.s32 $0xE00  }
0x182: {  	v5 =	vadd.s32 s3, v3  }
0x183: {  	s15 =	simm.s32 $0x200;
	v6 =	vadd.s32 s3, v2  }
0x184: {  	v0 =	vld [tilespmem:s0+$0x1CC00];
	v8 =	vadd.s32 s15, v3  }
0x185: {  	s5 =	simm.s32 $0x600;
	v9 =	vadd.s32 s15, v2;
	v7 =	vld.idx.msk [tilespmem:v2+s19+$0x0], $0xffff  }
0x186: {  	v14 =	vadd.s32 s5, v3;
	v10 =	vld.idx.msk [tilespmem:v3+s19+$0x0], $0xffff  }
0x187: {  	v4 =	vadd.s32 $0x1000, v2;
	v16 =	vadd.s32 s5, v2;
	v5 =	vld.idx.msk [tilespmem:v5+s19+$0x0], $0xffff  }
0x188: {  	s14 =	simm.s32 $0xC00;
	v1 =	vadd.s32 s28, v4;
	v15 =	vld.idx.msk [tilespmem:v6+s19+$0x0], $0xffff  }
0x189: {  	s3 =	simm.s32 $0x400;
	v30 =	vadd.s32 s14, v2;
	v17 =	vld.idx.msk [tilespmem:v8+s19+$0x0], $0xffff  }
0x18a: {  	v11 =	vadd.s32 s3, v3;
	v19 =	vld.idx.msk [tilespmem:v9+s19+$0x0], $0xffff  }
0x18b: {  	s11 =	simm.s32 $0x800;
	v13 =	vadd.s32 s3, v2;
	v8 =	vld.idx.msk [tilespmem:v14+s19+$0x0], $0xffff  }
0x18c: {  	s13 =	simm.s32 $0xA00;
	v18 =	vadd.s32 s11, v3;
	v20 =	vadd.s32 s11, v2;
	v9 =	vld.idx.msk [tilespmem:v16+s19+$0x0], $0xffff  }
0x18d: {  	v22 =	vadd.s32 s13, v3;
	v25 =	vadd.s32 s13, v2;
	s15 =	sshll.u32 s30, $0x2;
	s5 =	sand.u32 $0x7, s29;
	s13 =	simm.s32 $0x1200;
	v12 =	vld.idx.msk [tilespmem:v1+s19+$0x0], $0xffff;
	v1 =	vsub.f32 $1.000000000e+00, v0  }
0x18e: {  	v26 =	vadd.s32 s14, v3;
	s14 =	simm.s32 $0x1400;
	s11 =	sand.u32 $0xFFFFF000, s15;
	s5 =	sshll.u32 s5, $0x6;
	v24 =	vadd.s32 s13, v3;
	v23 =	vadd.s32 s13, v2;
	v30 =	vld.idx.msk [tilespmem:v30+s19+$0x0], $0xffff  }
0x18f: {  	s3 =	simm.s32 $0x1000;
	v28 =	vadd.s32 s14, v3;
	s0 =	sor.u32 s5, s11;
	s11 =	simm.s32 $0x1E00;
	v11 =	vld.idx.msk [tilespmem:v11+s19+$0x0], $0xffff;
	v21 =	vmul.f32 v7, v1;
	v10 =	vmul.f32 v10, v0  }
0x190: {  	v29 =	vadd.s32 s3, v4;
	v32 =	vadd.s32 s11, v3;
	v6 =	vadd.s32 $0x1000, v3;
	v7 =	vld.idx.msk [tilespmem:v13+s19+$0x0], $0xffff  }
0x191: {  	v31 =	vadd.s32 s28, v6;
	v16 =	vmul.f32 v5, v0;
	v34 =	vadd.f32 v21, v10;
	v10 =	vld.idx.msk [tilespmem:v18+s19+$0x0], $0xffff  }
0x192: {  	v33 =	vadd.s32 s11, v2;
	v15 =	vmul.f32 v15, v1;
	v5 =	vmul.f32 v12, v1;
	v12 =	vld.idx.msk [tilespmem:v20+s19+$0x0], $0xffff  }
0x193: {  	s15 =	simm.s32 $0x1800;
	s0 =	sshrl.u32 s0, $0x2;
	v27 =	vadd.s32 s3, v6;
	v13 =	vmul.f32 v17, v0;
	v14 =	vmul.f32 v19, v1;
	v20 =	vld.idx.msk [tilespmem:v25+s19+$0x0], $0xffff  }
0x194: {  	s13 =	simm.s32 $0x1600;
	s0 =	sadd.s32 $0x13200, s0;
	v21 =	vadd.s32 s14, v2;
	v18 =	vadd.s32 s15, v3;
	v25 =	vld.idx.msk [tilespmem:v26+s19+$0x0], $0xffff;
	v16 =	vadd.f32 v15, v16  }
0x195: {  	s14 =	simm.s32 $0x1A00;
	v19 =	vadd.s32 s15, v2;
	v17 =	vmul.f32 v11, v0;
	v26 =	vadd.s32 s13, v3;
	v15 =	vld.idx.msk [tilespmem:v22+s19+$0x0], $0xffff;
	[tilespmem:s0+$0xFFFFFE00] =	vst v34  }
0x196: {  	s11 =	simm.s32 $0x8;
	v31 =	vld.idx.msk [tilespmem:v31+s19+$0x0], $0xffff;
	v11 =	vadd.s32 s14, v2;
	v22 =	vadd.s32 s13, v2;
	s13 =	simm.s32 $0x1C00;
	[tilespmem:s0+$0x180] =	vst v16;
	v16 =	vadd.s32 s14, v3  }
.LBB2_28:
0x197: {  	v29 =	vld.idx.msk [tilespmem:v29+s19+$0x0], $0xffff;
	v34 =	vadd.s32 s13, v3;
	v35 =	vadd.s32 s13, v2;
	v7 =	vmul.f32 v7, v1;
	v36 =	vmovc v27  }
0x198: {  	v13 =	vadd.f32 v14, v13;
	v8 =	vmul.f32 v8, v0;
	v9 =	vmul.f32 v9, v1;
	v27 =	vld.idx.msk [tilespmem:v32+s19+$0x0], $0xffff  }
0x199: {  	v14 =	vld.idx.msk [tilespmem:v33+s19+$0x0], $0xffff;
	v17 =	vadd.f32 v7, v17;
	v7 =	vmul.f32 v10, v0;
	v10 =	vmul.f32 v12, v1  }
0x19a: {  	v9 =	vadd.f32 v9, v8;
	v8 =	vmul.f32 v15, v0;
	v15 =	vmul.f32 v20, v1;
	v12 =	vld.idx.msk [tilespmem:v24+s19+$0x0], $0xffff  }
0x19b: {  	v24 =	vmul.f32 v30, v1;
	v20 =	vld.idx.msk [tilespmem:v23+s19+$0x0], $0xffff;
	v10 =	vadd.f32 v10, v7;
	v23 =	vmul.f32 v25, v0  }
0x19c: {  	v25 =	vmul.f32 v31, v0;
	v15 =	vadd.f32 v15, v8;
	v28 =	vld.idx.msk [tilespmem:v28+s19+$0x0], $0xffff;
	[tilespmem:s0+$0xFFFFFE80] =	vst v13  }
0x19d: {  	v13 =	vmul.f32 v29, v1;
	v7 =	vld.idx.msk [tilespmem:v21+s19+$0x0], $0xffff;
	[tilespmem:s0+$0xFFFFFF00] =	vst v17;
	v17 =	vadd.f32 v24, v23  }
0x19e: {  	v25 =	vadd.f32 v5, v25;
	v8 =	vld.idx.msk [tilespmem:v26+s19+$0x0], $0xffff;
	[tilespmem:s0+$0xFFFFFF80] =	vst v9  }
0x19f: {  	v21 =	vmul.f32 v27, v0;
	v5 =	vmov v13;
	v9 =	vld.idx.msk [tilespmem:v22+s19+$0x0], $0xffff;
	v22 =	vmul.f32 v14, v1;
	[tilespmem:s0+$0x0] =	vst v10  }
0x1a0: {  	s3 =	sadd.s32 $0x1000, s3;
	s11 =	sadd.s32 $0x8, s11;
	v13 =	vmul.f32 v12, v0;
	v10 =	vld.idx.msk [tilespmem:v18+s19+$0x0], $0xffff;
	[tilespmem:s0+$0x80] =	vst v15  }
0x1a1: {  	s5 =	sadd.s32 $0x200, s3;
	p0 =	slt.u32 s11, $0x10;
	v14 =	vmul.f32 v20, v1;
	v12 =	vld.idx.msk [tilespmem:v19+s19+$0x0], $0xffff;
	v18 =	vadd.f32 v22, v21;
	[tilespmem:s0+$0x100] =	vst v17  }
.Ltmp12:
0x1a2: {  	s13 =	sadd.s32 $0xE00, s3;
	v29 =	vadd.s32 s3, v4;
	v27 =	vadd.s32 s3, v6;
	v17 =	vmul.f32 v28, v0;
	s0 =	sadd.s32 $0x1800, s0;
	v15 =	vld.idx.msk [tilespmem:v16+s19+$0x0], $0xffff;
	(pc) =	sbr.rel @p0 .LBB2_28-.Ltmp12, $4  }
0x1a3: {  	s14 =	sadd.s32 $0x600, s3;
	v32 =	vadd.s32 s13, v3;
	v24 =	vadd.s32 s5, v3;
	v23 =	vadd.s32 s5, v2;
	s5 =	sadd.s32 $0x400, s3;
	v20 =	vld.idx.msk [tilespmem:v11+s19+$0x0], $0xffff;
	[tilespmem:s0+$0x180] =	vst v18  }
0x1a4: {  	s15 =	sadd.s32 $0xA00, s3;
	v33 =	vadd.s32 s13, v2;
	v28 =	vadd.s32 s5, v3;
	v21 =	vadd.s32 s5, v2;
	s5 =	sadd.s32 $0x800, s3;
	[tilespmem:s0+$0xFFFFFE00] =	vst v25;
	v25 =	vld.idx.msk [tilespmem:v34+s19+$0x0], $0xffff  }
0x1a5: {  	s13 =	sadd.s32 $0xC00, s3;
	v26 =	vadd.s32 s14, v3;
	v22 =	vadd.s32 s14, v2;
	v18 =	vadd.s32 s5, v3;
	v30 =	vld.idx.msk [tilespmem:v35+s19+$0x0], $0xffff  }
0x1a6: {  	v19 =	vadd.s32 s5, v2;
	v16 =	vadd.s32 s15, v3;
	v11 =	vadd.s32 s15, v2;
	v31 =	vld.idx.msk [tilespmem:v36+s19+$0x0], $0xffff  }
0x1a7: {  	_ =	sdelay $0x3  }
0x1a8: {  	v4 =	vld.idx.msk [tilespmem:v32+s19+$0x0], $0xffff  }
0x1a9: {  	v6 =	vld.idx.msk [tilespmem:v33+s19+$0x0], $0xffff  }
0x1aa: {  	v24 =	vld.idx.msk [tilespmem:v24+s19+$0x0], $0xffff  }
0x1ab: {  	v23 =	vld.idx.msk [tilespmem:v23+s19+$0x0], $0xffff  }
0x1ac: {  	v27 =	vld.idx.msk [tilespmem:v28+s19+$0x0], $0xffff  }
0x1ad: {  	v21 =	vld.idx.msk [tilespmem:v21+s19+$0x0], $0xffff  }
0x1ae: {  	v7 =	vmul.f32 v7, v1;
	v3 =	vadd.s32 s13, v3;
	v40 =	vld.idx.msk [tilespmem:v26+s19+$0x0], $0xffff  }
0x1af: {  	v8 =	vmul.f32 v8, v0;
	v9 =	vmul.f32 v9, v1;
	v13 =	vadd.f32 v14, v13;
	v41 =	vld.idx.msk [tilespmem:v22+s19+$0x0], $0xffff  }
0x1b0: {  	v10 =	vmul.f32 v10, v0;
	v12 =	vmul.f32 v12, v1;
	v43 =	vld.idx.msk [tilespmem:v18+s19+$0x0], $0xffff;
	v7 =	vadd.f32 v7, v17  }
0x1b1: {  	v2 =	vadd.s32 s13, v2;
	v15 =	vmul.f32 v15, v0;
	v46 =	vld.idx.msk [tilespmem:v19+s19+$0x0], $0xffff;
	v8 =	vadd.f32 v9, v8;
	[tilespmem:s0+$0xFFFFFE80] =	vst v13  }
0x1b2: {  	v48 =	vld.idx.msk [tilespmem:v16+s19+$0x0], $0xffff;
	v42 =	vmul.f32 v20, v1;
	v10 =	vadd.f32 v12, v10;
	[tilespmem:s0+$0xFFFFFF00] =	vst v7  }
0x1b3: {  	v49 =	vld.idx.msk [tilespmem:v11+s19+$0x0], $0xffff;
	v44 =	vmul.f32 v25, v0;
	v45 =	vmul.f32 v30, v1;
	[tilespmem:s0+$0xFFFFFF80] =	vst v8  }
0x1b4: {  	v15 =	vadd.f32 v42, v15;
	v47 =	vmul.f32 v31, v0;
	[tilespmem:s0+$0x0] =	vst v10;
	v4 =	vmul.f32 v4, v0  }
0x1b5: {  	v6 =	vmul.f32 v6, v1;
	v50 =	vadd.f32 v45, v44;
	v51 =	vmul.f32 v24, v0;
	v3 =	vld.idx.msk [tilespmem:v3+s19+$0x0], $0xffff  }
0x1b6: {  	[tilespmem:s0+$0x80] =	vst v15;
	v52 =	vmul.f32 v23, v1;
	v2 =	vld.idx.msk [tilespmem:v2+s19+$0x0], $0xffff;
	v5 =	vadd.f32 v5, v47  }
0x1b7: {  	s15 =	sadd.s32 $0x1800, s0;
	v53 =	vmul.f32 v27, v0;
	v54 =	vmul.f32 v21, v1;
	v4 =	vadd.f32 v6, v4;
	[tilespmem:s0+$0x100] =	vst v50  }
0x1b8: {  	v56 =	vmul.f32 v40, v0;
	v9 =	vmul.f32 v41, v1;
	v55 =	vadd.f32 v52, v51;
	[tilespmem:s15+$0xFFFFFE00] =	vst v5  }
0x1b9: {  	s31 =	sadd.s32 $0x1, s31;
	v58 =	vmul.f32 v43, v0;
	v59 =	vmul.f32 v46, v1;
	v57 =	vadd.f32 v54, v53;
	[tilespmem:s15+$0x180] =	vst v4  }
0x1ba: {  	p0 =	sne.s32 s31, $0x30;
	v7 =	vmul.f32 v48, v0;
	v8 =	vmul.f32 v49, v1;
	v9 =	vadd.f32 v9, v56;
	[tilespmem:s15+$0xFFFFFE80] =	vst v55  }
.Ltmp13:
0x1bb: {  	v60 =	vadd.f32 v59, v58;
	[tilespmem:s15+$0xFFFFFF00] =	vst v57;
	v61 =	vmul.f32 v3, v0;
	v62 =	vmul.f32 v2, v1;
	(pc) =	sbr.rel @p0 .LBB2_27-.Ltmp13, $4  }
0x1bc: {  	v63 =	vadd.f32 v8, v7;
	[tilespmem:s15+$0xFFFFFF80] =	vst v9  }
0x1bd: {  	[tilespmem:s15+$0x0] =	vst v60;
	v0 =	vadd.f32 v62, v61  }
0x1be: {  	[tilespmem:s15+$0x80] =	vst v63  }
0x1bf: {  	s30 =	sadd.s32 $0x80, s30;
	s29 =	sadd.s32 $0x1, s29;
	[tilespmem:s15+$0x100] =	vst v0  }
0x1c0: {  	s0 =	sadd.s32 $0x9000, s26  }
0x1c1: {  	s0 =	sshrl.u32 s0, $0x3  }
0x1c2: {  	s3 =	sadd.s32 s1, s0;
	s0 =	simm.s32 $0x0  }
0x1c3: {  	[hbm4b:s3+s0] =	stream.linear.scatter [tilespmem:s20], [sflag:$0x3], $0x4800, $0x38;
	[tilespmem:$0x1CF00] =	vst v63  }
0x1c4: {  	_ =	swait.ge [sflag:s23], $0x4800  }
0x1c5: {  	[sflag:s23] =	ssyncset.done $0x0  }
0x1c6: {  	s29 =	simm.s32 $0x2FC1F0;
	s30 =	simm.s32 $0x10040;
	[sflag:s23] =	ssyncadd.s32 $0xFFFFB800  }
.LBB2_31:
0x1c7: {  	s3 =	sshrl.u32 s29, $0x5  }
0x1c8: {  	s5 =	sshrl.u32 s29, $0x10;
	s11 =	sshrl.u32 s29, $0x7;
	s13 =	sshll.u32 s0, $0x4  }
0x1c9: {  	s3 =	sand.u32 $0x7FFC000, s3;
	s11 =	sand.u32 $0xE00, s11;
	s5 =	smin.u32 s5, $0x3E  }
0x1ca: {  	s13 =	sadd.s32 $0x480, s13;
	s3 =	sor.u32 s11, s3;
	s15 =	sshll.u32 s5, $0xB  }
0x1cb: {  	s5 =	sadd.s32 $0x1, s5;
	s13 =	sand.u32 $0x3FFFFFF0, s13;
	s3 =	sshrl.u32 s3, $0x2  }
0x1cc: {  	s11 =	sadd.s32 $0x800, s15;
	s5 =	sand.u32 $0x7, s5;
	v0 =	vld [tilespmem:s13+$0x1C000];
	s14 =	sor.u32 $0x40, s3  }
0x1cd: {  	s11 =	sand.u32 $0x3C000, s11;
	s5 =	sshll.u32 s5, $0x9;
	v2 =	vld [tilespmem:s14+$0x30]  }
0x1ce: {  	s5 =	sor.u32 s5, s11;
	v4 =	vld [tilespmem:s14+$0xFFFFFFD0]  }
0x1cf: {  	v7 =	vld [tilespmem:s14+$0xFFFFFFE0];
	s15 =	sshrl.u32 s5, $0x2  }
0x1d0: {  	v9 =	vld [tilespmem:s14+$0xFFFFFFF0];
	s3 =	sor.u32 $0x40, s15  }
0x1d1: {  	v3 =	vld [tilespmem:s3+$0x30]  }
0x1d2: {  	v6 =	vld [tilespmem:s3+$0xFFFFFFD0]  }
0x1d3: {  	v8 =	vld [tilespmem:s3+$0xFFFFFFE0]  }
0x1d4: {  	v11 =	vld [tilespmem:s14+$0x0];
	v1 =	vsub.f32 $1.000000000e+00, v0  }
0x1d5: {  	v10 =	vld [tilespmem:s3+$0xFFFFFFF0]  }
0x1d6: {  	v5 =	vld [tilespmem:s3+$0xFFFFFFC0];
	v2 =	vmul.f32 v2, v0;
	v3 =	vmul.f32 v3, v1  }
0x1d7: {  	v13 =	vld [tilespmem:s3+$0x0];
	v12 =	vmul.f32 v4, v0;
	v6 =	vmul.f32 v6, v1  }
0x1d8: {  	v7 =	vmul.f32 v7, v0;
	v4 =	vld [tilespmem:s14+$0x10];
	v8 =	vmul.f32 v8, v1;
	v2 =	vadd.f32 v3, v2  }
0x1d9: {  	v12 =	vadd.f32 v6, v12;
	v3 =	vld [tilespmem:s3+$0x10]  }
0x1da: {  	v9 =	vmul.f32 v9, v0;
	v10 =	vmul.f32 v10, v1;
	v14 =	vadd.f32 v8, v7;
	v6 =	vld [tilespmem:s14+$0x20];
	[tilespmem:s30+$0x30] =	vst v2  }
0x1db: {  	v7 =	vld [tilespmem:s3+$0x20];
	v8 =	vmul.f32 v11, v0;
	[tilespmem:s30+$0xFFFFFFD0] =	vst v12  }
0x1dc: {  	s28 =	simm.s32 $0x0;
	s31 =	sadd.s32 $0x400, s14;
	s11 =	smov.u32 s30;
	v9 =	vadd.f32 v10, v9;
	v10 =	vmul.f32 v13, v1;
	v2 =	vmul.f32 v5, v1;
	v5 =	vld [tilespmem:s14+$0xFFFFFFC0];
	[tilespmem:s30+$0xFFFFFFE0] =	vst v14  }
.LBB2_32:
0x1dd: {  	v11 =	vld [tilespmem:s31+$0x30];
	v4 =	vmul.f32 v4, v0;
	s3 =	sadd.s32 $0x400, s3  }
0x1de: {  	s28 =	sadd.s32 $0x8, s28;
	v12 =	vld [tilespmem:s3+$0x30];
	[tilespmem:s11+$0xFFFFFFF0] =	vst v9;
	v8 =	vadd.f32 v10, v8;
	v3 =	vmul.f32 v3, v1  }
0x1df: {  	p0 =	slt.u32 s28, $0x18;
	v9 =	vld [tilespmem:s3+$0xFFFFFFC0];
	v6 =	vmul.f32 v6, v0  }
0x1e0: {  	v10 =	vld [tilespmem:s31+$0xFFFFFFD0];
	[tilespmem:s11+$0x0] =	vst v8;
	v3 =	vadd.f32 v3, v4;
	v4 =	vmul.f32 v7, v1  }
0x1e1: {  	v7 =	vld [tilespmem:s3+$0xFFFFFFD0];
	v5 =	vmul.f32 v5, v0  }
0x1e2: {  	v8 =	vld [tilespmem:s31+$0xFFFFFFE0];
	[tilespmem:s11+$0x10] =	vst v3;
	v3 =	vadd.f32 v4, v6  }
0x1e3: {  	v6 =	vmul.f32 v11, v0;
	v4 =	vld [tilespmem:s3+$0xFFFFFFE0];
	v11 =	vmul.f32 v12, v1;
	v5 =	vadd.f32 v2, v5  }
0x1e4: {  	v2 =	vmul.f32 v9, v1;
	v9 =	vld [tilespmem:s31+$0xFFFFFFF0];
	[tilespmem:s11+$0x20] =	vst v3  }
0x1e5: {  	v3 =	vmul.f32 v10, v0;
	v10 =	vld [tilespmem:s3+$0xFFFFFFF0];
	v6 =	vadd.f32 v11, v6;
	[tilespmem:s11+$0xFFFFFFC0] =	vst v5  }
0x1e6: {  	s11 =	sadd.s32 $0x80, s11;
	v5 =	vmul.f32 v7, v1;
	v7 =	vld [tilespmem:s31+$0x0]  }
0x1e7: {  	v8 =	vmul.f32 v8, v0;
	v11 =	vld [tilespmem:s3+$0x0];
	[tilespmem:s11+$0x30] =	vst v6  }
.Ltmp14:
0x1e8: {  	v5 =	vadd.f32 v5, v3;
	v6 =	vmul.f32 v4, v1;
	v4 =	vld [tilespmem:s31+$0x10];
	(pc) =	sbr.rel @p0 .LBB2_32-.Ltmp14, $4  }
0x1e9: {  	v9 =	vmul.f32 v9, v0;
	v3 =	vld [tilespmem:s3+$0x10]  }
0x1ea: {  	[tilespmem:s11+$0xFFFFFFD0] =	vst v5;
	v12 =	vadd.f32 v6, v8;
	v10 =	vmul.f32 v10, v1;
	v6 =	vld [tilespmem:s31+$0x20]  }
0x1eb: {  	v8 =	vmul.f32 v7, v0;
	v7 =	vld [tilespmem:s3+$0x20]  }
0x1ec: {  	v5 =	vld [tilespmem:s31+$0xFFFFFFC0];
	[tilespmem:s11+$0xFFFFFFE0] =	vst v12;
	v9 =	vadd.f32 v10, v9;
	v10 =	vmul.f32 v11, v1;
	s31 =	sadd.s32 $0x400, s31  }
0x1ed: {  	_ =	sdelay $0x1  }
0x1ee: {  	v4 =	vmul.f32 v4, v0;
	s0 =	sadd.s32 $0x1, s0;
	v3 =	vmul.f32 v3, v1  }
0x1ef: {  	v8 =	vadd.f32 v10, v8;
	p0 =	sne.s32 s0, $0x18;
	v6 =	vmul.f32 v6, v0;
	v62 =	vmul.f32 v7, v1  }
.Ltmp15:
0x1f0: {  	[tilespmem:s11+$0xFFFFFFF0] =	vst v9;
	v3 =	vadd.f32 v3, v4;
	v63 =	vmul.f32 v5, v0;
	(pc) =	sbr.rel @p0 .LBB2_31-.Ltmp15, $4  }
0x1f1: {  	[tilespmem:s11+$0x0] =	vst v8;
	v1 =	vadd.f32 v62, v6  }
0x1f2: {  	[tilespmem:s11+$0x10] =	vst v3;
	v0 =	vadd.f32 v2, v63  }
0x1f3: {  	[tilespmem:s11+$0x20] =	vst v1  }
0x1f4: {  	s29 =	sadd.s32 $0xA9CE, s29;
	s30 =	sadd.s32 $0x200, s30;
	s28 =	simm.s32 $0x0;
	[tilespmem:s11+$0xFFFFFFC0] =	vst v0  }
0x1f5: {  	s29 =	simm.s32 $0x0;
	s30 =	simm.s32 $0x0;
	s31 =	simm.s32 $0x0  }
.LBB2_35:
0x1f6: {  	s0 =	sshll.u32 s31, $0x4  }
0x1f7: {  	v2 =	vld [tilespmem:s0+$0x1C900]  }
0x1f8: {  	v3 =	vld [tilespmem:s0+$0x1C600];
	_ =	sdelay $0x3  }
0x1f9: {  	s3 =	simm.s32 $0xE00  }
0x1fa: {  	v5 =	vadd.s32 s3, v3  }
0x1fb: {  	s15 =	simm.s32 $0x200;
	v6 =	vadd.s32 s3, v2  }
0x1fc: {  	v0 =	vld [tilespmem:s0+$0x1CC00];
	v8 =	vadd.s32 s15, v3  }
0x1fd: {  	s5 =	simm.s32 $0x600;
	v9 =	vadd.s32 s15, v2;
	v7 =	vld.idx.msk [tilespmem:v2+s19+$0x0], $0xffff  }
0x1fe: {  	v14 =	vadd.s32 s5, v3;
	v10 =	vld.idx.msk [tilespmem:v3+s19+$0x0], $0xffff  }
0x1ff: {  	v4 =	vadd.s32 $0x1000, v2;
	v16 =	vadd.s32 s5, v2;
	v5 =	vld.idx.msk [tilespmem:v5+s19+$0x0], $0xffff  }
0x200: {  	s14 =	simm.s32 $0xC00;
	v1 =	vadd.s32 s28, v4;
	v15 =	vld.idx.msk [tilespmem:v6+s19+$0x0], $0xffff  }
0x201: {  	s3 =	simm.s32 $0x400;
	v30 =	vadd.s32 s14, v2;
	v17 =	vld.idx.msk [tilespmem:v8+s19+$0x0], $0xffff  }
0x202: {  	v11 =	vadd.s32 s3, v3;
	v19 =	vld.idx.msk [tilespmem:v9+s19+$0x0], $0xffff  }
0x203: {  	s11 =	simm.s32 $0x800;
	v13 =	vadd.s32 s3, v2;
	v8 =	vld.idx.msk [tilespmem:v14+s19+$0x0], $0xffff  }
0x204: {  	s13 =	simm.s32 $0xA00;
	v18 =	vadd.s32 s11, v3;
	v20 =	vadd.s32 s11, v2;
	v9 =	vld.idx.msk [tilespmem:v16+s19+$0x0], $0xffff  }
0x205: {  	v22 =	vadd.s32 s13, v3;
	v25 =	vadd.s32 s13, v2;
	s15 =	sshll.u32 s30, $0x2;
	s5 =	sand.u32 $0x7, s29;
	s13 =	simm.s32 $0x1200;
	v12 =	vld.idx.msk [tilespmem:v1+s19+$0x0], $0xffff;
	v1 =	vsub.f32 $1.000000000e+00, v0  }
0x206: {  	v26 =	vadd.s32 s14, v3;
	s14 =	simm.s32 $0x1400;
	s11 =	sand.u32 $0xFFFFF000, s15;
	s5 =	sshll.u32 s5, $0x6;
	v24 =	vadd.s32 s13, v3;
	v23 =	vadd.s32 s13, v2;
	v30 =	vld.idx.msk [tilespmem:v30+s19+$0x0], $0xffff  }
0x207: {  	s3 =	simm.s32 $0x1000;
	v28 =	vadd.s32 s14, v3;
	s0 =	sor.u32 s5, s11;
	s11 =	simm.s32 $0x1E00;
	v11 =	vld.idx.msk [tilespmem:v11+s19+$0x0], $0xffff;
	v21 =	vmul.f32 v7, v1;
	v10 =	vmul.f32 v10, v0  }
0x208: {  	v29 =	vadd.s32 s3, v4;
	v32 =	vadd.s32 s11, v3;
	v6 =	vadd.s32 $0x1000, v3;
	v7 =	vld.idx.msk [tilespmem:v13+s19+$0x0], $0xffff  }
0x209: {  	v31 =	vadd.s32 s28, v6;
	v16 =	vmul.f32 v5, v0;
	v34 =	vadd.f32 v21, v10;
	v10 =	vld.idx.msk [tilespmem:v18+s19+$0x0], $0xffff  }
0x20a: {  	v33 =	vadd.s32 s11, v2;
	v15 =	vmul.f32 v15, v1;
	v5 =	vmul.f32 v12, v1;
	v12 =	vld.idx.msk [tilespmem:v20+s19+$0x0], $0xffff  }
0x20b: {  	s15 =	simm.s32 $0x1800;
	s0 =	sshrl.u32 s0, $0x2;
	v27 =	vadd.s32 s3, v6;
	v13 =	vmul.f32 v17, v0;
	v14 =	vmul.f32 v19, v1;
	v20 =	vld.idx.msk [tilespmem:v25+s19+$0x0], $0xffff  }
0x20c: {  	s13 =	simm.s32 $0x1600;
	s0 =	sadd.s32 $0x17A00, s0;
	v21 =	vadd.s32 s14, v2;
	v18 =	vadd.s32 s15, v3;
	v25 =	vld.idx.msk [tilespmem:v26+s19+$0x0], $0xffff;
	v16 =	vadd.f32 v15, v16  }
0x20d: {  	s14 =	simm.s32 $0x1A00;
	v19 =	vadd.s32 s15, v2;
	v17 =	vmul.f32 v11, v0;
	v26 =	vadd.s32 s13, v3;
	v15 =	vld.idx.msk [tilespmem:v22+s19+$0x0], $0xffff;
	[tilespmem:s0+$0xFFFFFE00] =	vst v34  }
0x20e: {  	s11 =	simm.s32 $0x8;
	v31 =	vld.idx.msk [tilespmem:v31+s19+$0x0], $0xffff;
	v11 =	vadd.s32 s14, v2;
	v22 =	vadd.s32 s13, v2;
	s13 =	simm.s32 $0x1C00;
	[tilespmem:s0+$0x180] =	vst v16;
	v16 =	vadd.s32 s14, v3  }
.LBB2_36:
0x20f: {  	v29 =	vld.idx.msk [tilespmem:v29+s19+$0x0], $0xffff;
	v34 =	vadd.s32 s13, v3;
	v35 =	vadd.s32 s13, v2;
	v7 =	vmul.f32 v7, v1;
	v36 =	vmovc v27  }
0x210: {  	v13 =	vadd.f32 v14, v13;
	v8 =	vmul.f32 v8, v0;
	v9 =	vmul.f32 v9, v1;
	v27 =	vld.idx.msk [tilespmem:v32+s19+$0x0], $0xffff  }
0x211: {  	v14 =	vld.idx.msk [tilespmem:v33+s19+$0x0], $0xffff;
	v17 =	vadd.f32 v7, v17;
	v7 =	vmul.f32 v10, v0;
	v10 =	vmul.f32 v12, v1  }
0x212: {  	v9 =	vadd.f32 v9, v8;
	v8 =	vmul.f32 v15, v0;
	v15 =	vmul.f32 v20, v1;
	v12 =	vld.idx.msk [tilespmem:v24+s19+$0x0], $0xffff  }
0x213: {  	v24 =	vmul.f32 v30, v1;
	v20 =	vld.idx.msk [tilespmem:v23+s19+$0x0], $0xffff;
	v10 =	vadd.f32 v10, v7;
	v23 =	vmul.f32 v25, v0  }
0x214: {  	v25 =	vmul.f32 v31, v0;
	v15 =	vadd.f32 v15, v8;
	v28 =	vld.idx.msk [tilespmem:v28+s19+$0x0], $0xffff;
	[tilespmem:s0+$0xFFFFFE80] =	vst v13  }
0x215: {  	v13 =	vmul.f32 v29, v1;
	v7 =	vld.idx.msk [tilespmem:v21+s19+$0x0], $0xffff;
	[tilespmem:s0+$0xFFFFFF00] =	vst v17;
	v17 =	vadd.f32 v24, v23  }
0x216: {  	v25 =	vadd.f32 v5, v25;
	v8 =	vld.idx.msk [tilespmem:v26+s19+$0x0], $0xffff;
	[tilespmem:s0+$0xFFFFFF80] =	vst v9  }
0x217: {  	v21 =	vmul.f32 v27, v0;
	v5 =	vmov v13;
	v9 =	vld.idx.msk [tilespmem:v22+s19+$0x0], $0xffff;
	v22 =	vmul.f32 v14, v1;
	[tilespmem:s0+$0x0] =	vst v10  }
0x218: {  	s3 =	sadd.s32 $0x1000, s3;
	s11 =	sadd.s32 $0x8, s11;
	v13 =	vmul.f32 v12, v0;
	v10 =	vld.idx.msk [tilespmem:v18+s19+$0x0], $0xffff;
	[tilespmem:s0+$0x80] =	vst v15  }
0x219: {  	s5 =	sadd.s32 $0x200, s3;
	p0 =	slt.u32 s11, $0x10;
	v14 =	vmul.f32 v20, v1;
	v12 =	vld.idx.msk [tilespmem:v19+s19+$0x0], $0xffff;
	v18 =	vadd.f32 v22, v21;
	[tilespmem:s0+$0x100] =	vst v17  }
.Ltmp16:
0x21a: {  	s13 =	sadd.s32 $0xE00, s3;
	v29 =	vadd.s32 s3, v4;
	v27 =	vadd.s32 s3, v6;
	v17 =	vmul.f32 v28, v0;
	s0 =	sadd.s32 $0x1800, s0;
	v15 =	vld.idx.msk [tilespmem:v16+s19+$0x0], $0xffff;
	(pc) =	sbr.rel @p0 .LBB2_36-.Ltmp16, $4  }
0x21b: {  	s14 =	sadd.s32 $0x600, s3;
	v32 =	vadd.s32 s13, v3;
	v24 =	vadd.s32 s5, v3;
	v23 =	vadd.s32 s5, v2;
	s5 =	sadd.s32 $0x400, s3;
	v20 =	vld.idx.msk [tilespmem:v11+s19+$0x0], $0xffff;
	[tilespmem:s0+$0x180] =	vst v18  }
0x21c: {  	s15 =	sadd.s32 $0xA00, s3;
	v33 =	vadd.s32 s13, v2;
	v28 =	vadd.s32 s5, v3;
	v21 =	vadd.s32 s5, v2;
	s5 =	sadd.s32 $0x800, s3;
	[tilespmem:s0+$0xFFFFFE00] =	vst v25;
	v25 =	vld.idx.msk [tilespmem:v34+s19+$0x0], $0xffff  }
0x21d: {  	s13 =	sadd.s32 $0xC00, s3;
	v26 =	vadd.s32 s14, v3;
	v22 =	vadd.s32 s14, v2;
	v18 =	vadd.s32 s5, v3;
	v30 =	vld.idx.msk [tilespmem:v35+s19+$0x0], $0xffff  }
0x21e: {  	v19 =	vadd.s32 s5, v2;
	v16 =	vadd.s32 s15, v3;
	v11 =	vadd.s32 s15, v2;
	v31 =	vld.idx.msk [tilespmem:v36+s19+$0x0], $0xffff  }
0x21f: {  	_ =	sdelay $0x3  }
0x220: {  	v4 =	vld.idx.msk [tilespmem:v32+s19+$0x0], $0xffff  }
0x221: {  	v6 =	vld.idx.msk [tilespmem:v33+s19+$0x0], $0xffff  }
0x222: {  	v24 =	vld.idx.msk [tilespmem:v24+s19+$0x0], $0xffff  }
0x223: {  	v23 =	vld.idx.msk [tilespmem:v23+s19+$0x0], $0xffff  }
0x224: {  	v27 =	vld.idx.msk [tilespmem:v28+s19+$0x0], $0xffff  }
0x225: {  	v21 =	vld.idx.msk [tilespmem:v21+s19+$0x0], $0xffff  }
0x226: {  	v7 =	vmul.f32 v7, v1;
	v3 =	vadd.s32 s13, v3;
	v40 =	vld.idx.msk [tilespmem:v26+s19+$0x0], $0xffff  }
0x227: {  	v8 =	vmul.f32 v8, v0;
	v9 =	vmul.f32 v9, v1;
	v13 =	vadd.f32 v14, v13;
	v41 =	vld.idx.msk [tilespmem:v22+s19+$0x0], $0xffff  }
0x228: {  	v10 =	vmul.f32 v10, v0;
	v12 =	vmul.f32 v12, v1;
	v43 =	vld.idx.msk [tilespmem:v18+s19+$0x0], $0xffff;
	v7 =	vadd.f32 v7, v17  }
0x229: {  	v2 =	vadd.s32 s13, v2;
	v15 =	vmul.f32 v15, v0;
	v46 =	vld.idx.msk [tilespmem:v19+s19+$0x0], $0xffff;
	v8 =	vadd.f32 v9, v8;
	[tilespmem:s0+$0xFFFFFE80] =	vst v13  }
0x22a: {  	v48 =	vld.idx.msk [tilespmem:v16+s19+$0x0], $0xffff;
	v42 =	vmul.f32 v20, v1;
	v10 =	vadd.f32 v12, v10;
	[tilespmem:s0+$0xFFFFFF00] =	vst v7  }
0x22b: {  	v49 =	vld.idx.msk [tilespmem:v11+s19+$0x0], $0xffff;
	v44 =	vmul.f32 v25, v0;
	v45 =	vmul.f32 v30, v1;
	[tilespmem:s0+$0xFFFFFF80] =	vst v8  }
0x22c: {  	v15 =	vadd.f32 v42, v15;
	v47 =	vmul.f32 v31, v0;
	[tilespmem:s0+$0x0] =	vst v10;
	v4 =	vmul.f32 v4, v0  }
0x22d: {  	v6 =	vmul.f32 v6, v1;
	v50 =	vadd.f32 v45, v44;
	v51 =	vmul.f32 v24, v0;
	v3 =	vld.idx.msk [tilespmem:v3+s19+$0x0], $0xffff  }
0x22e: {  	[tilespmem:s0+$0x80] =	vst v15;
	v52 =	vmul.f32 v23, v1;
	v2 =	vld.idx.msk [tilespmem:v2+s19+$0x0], $0xffff;
	v5 =	vadd.f32 v5, v47  }
0x22f: {  	s15 =	sadd.s32 $0x1800, s0;
	v53 =	vmul.f32 v27, v0;
	v54 =	vmul.f32 v21, v1;
	v4 =	vadd.f32 v6, v4;
	[tilespmem:s0+$0x100] =	vst v50  }
0x230: {  	v56 =	vmul.f32 v40, v0;
	v9 =	vmul.f32 v41, v1;
	v55 =	vadd.f32 v52, v51;
	[tilespmem:s15+$0xFFFFFE00] =	vst v5  }
0x231: {  	s31 =	sadd.s32 $0x1, s31;
	v58 =	vmul.f32 v43, v0;
	v59 =	vmul.f32 v46, v1;
	v57 =	vadd.f32 v54, v53;
	[tilespmem:s15+$0x180] =	vst v4  }
0x232: {  	p0 =	sne.s32 s31, $0x30;
	v7 =	vmul.f32 v48, v0;
	v8 =	vmul.f32 v49, v1;
	v9 =	vadd.f32 v9, v56;
	[tilespmem:s15+$0xFFFFFE80] =	vst v55  }
.Ltmp17:
0x233: {  	v60 =	vadd.f32 v59, v58;
	[tilespmem:s15+$0xFFFFFF00] =	vst v57;
	v61 =	vmul.f32 v3, v0;
	v62 =	vmul.f32 v2, v1;
	(pc) =	sbr.rel @p0 .LBB2_35-.Ltmp17, $4  }
0x234: {  	v63 =	vadd.f32 v8, v7;
	[tilespmem:s15+$0xFFFFFF80] =	vst v9  }
0x235: {  	[tilespmem:s15+$0x0] =	vst v60;
	v0 =	vadd.f32 v62, v61  }
0x236: {  	[tilespmem:s15+$0x80] =	vst v63  }
0x237: {  	s30 =	sadd.s32 $0x80, s30;
	s29 =	sadd.s32 $0x1, s29;
	[tilespmem:s15+$0x100] =	vst v0  }
0x238: {  	s0 =	sadd.s32 $0xD800, s26  }
0x239: {  	s0 =	sshrl.u32 s0, $0x3  }
0x23a: {  	s25 =	sadd.s32 $0x1, s25;
	s0 =	sadd.s32 s1, s0  }
0x23b: {  	[hbm4b:s0+s2] =	stream.linear.scatter [tilespmem:s21], [sflag:$0x4], $0x4800, $0x38;
	[tilespmem:$0x1CF00] =	vst v63  }
0x23c: {  	p0 =	sne.s32 s25, $0x6;
	_ =	swait.ge [sflag:s22], $0x4800  }
.Ltmp18:
0x23d: {  	[sflag:s22] =	ssyncset.done $0x0;
	(pc) =	sbr.rel @p0 .LBB2_2-.Ltmp18, $4  }
0x23e: {  	[sflag:s22] =	ssyncadd.s32 $0xFFFFB800  }
0x23f: {  	_ =	swait.ge [sflag:s23], $0x4800  }
0x240: {  	[sflag:s23] =	ssyncset.done $0x0  }
0x241: {  	[sflag:s23] =	ssyncadd.s32 $0xFFFFB800  }
0x242: {  	s24 =	sadd.s32 $0x1, s24  }
0x243: {  	p0 =	sne.s32 s24, s10  }
.Ltmp19:
0x244: {  	_ = 	snop;
	(pc) =	sbr.rel @p0 .LBB2_1-.Ltmp19, $1  }
0x245: {  	_ =	sdelay $0x3  }
0x246: {  	_ =	sfence.sel $0x180000  }
0x247: {  	[bflag:$0x0] =	sbarrier.arrive $0xFFFF  }
0x248: {  	_ =	strace $0x90000047  }
0x249: {  	s0 =	stileid.u32;
	[bflag:$0x2] =	sbarrier.arrive $0xFFFF  }
0x24a: {  	p0 =	sne.s32 s0, $0x0;
	s0 =	rddreg [dreg:$0x2]  }
0x24b: {  	s0 =	sadd.s32 @!p0 $0x100000, s0  }
0x24c: {  	[sflag:s0] =	ssyncadd.tile.s32 @!p0 $0x1;
	_ =	shalt  }
.Lfunc_end2:
_tile_overlayer_lowered:
.L_overlay_start_2:
0x24d: {  	(tag) =	ssettag $0x2  }
0x24e: {  	s0 =	rddreg [dreg:$0x0];
	s2 =	stileid.u32  }
0x24f: {  	s1 =	rddreg [dreg:$0x1];
	p0 =	sne.s32 s2, $0x0  }
0x250: {  	s3 =	rddreg [dreg:$0x2];
	[bflag:$0x3] =	sbarrier.arrive $0xFFFF;
	s2 =	simm.s32 @!p0 $0x1C05  }
0x251: {  	[timem:s3], [sflag:s2] =	dma.local @!p0 [hbm:s0], s1  }
0x252: {  	s0 =	simm.s32 @!p0 $0x5  }
0x253: {  	_ =	swait.ge @!p0 [sflag:s0], s1  }
0x254: {  	s1 =	ssub.s32 @!p0 $0x0, s1;
	[sflag:s0] =	ssyncset.done @!p0 $0x0  }
0x255: {  	[sflag:s0] =	ssyncadd.s32 @!p0 s1  }
0x256: {  	[bflag:$0x3] =	sbarrier.arrive $0xFFFF  }
0x257: {  	_ =	shalt  }

// kernel: sparse-core-data-format-call.cloned.1.call-start
scs
called_computation_lowered:
.L_overlay_start_0:
0x0: {  	s2 =	sld [smem:$0x3FD9]  }
0x1: {  	s3 =	sld [smem:$0x3FFE];
	_ =	sdelay $0x1  }
0x2: {  	s1 =	srdreg.scid  }
0x3: {  	s0 =	sand.u32 $0x1, s1  }
0x4: {  	s18 =	sshll.u32 s0, $0xA;
	s2 =	sadd.s32 s3, s2  }
0x5: {  	s2 =	sadd.s32 s2, s18  }
0x6: {  	[smem:$0x3FC7] =	sst s2  }
0x7: {  	_ = 	snop  }
0x8: {  	s2 =	sld [smem:$0x3FD0];
	(tm) =	ssettm $0x1  }
0x9: {  	s19 =	sld [smem:$0x3FFB];
	_ =	sdelay $0x3  }
0xa: {  	_ =	strace s19  }
0xb: {  	s3 =	sld [smem:$0x3FFC];
	_ =	sdelay $0x3  }
0xc: {  	_ =	strace s3  }
0xd: {  	s3 =	sld [smem:$0x3FFD];
	_ =	sdelay $0x3  }
0xe: {  	_ =	strace s3  }
0xf: {  	_ =	strace $0x8FFFFFFF  }
0x10: {  	s20 =	sld [smem:$0x3FDB];
	_ =	sdelay $0x1  }
0x11: {  	s4 =	simm.s32 $_scs_section_size  }
0x12: {  	s5 =	simm.s32 $_size__tile_overlayer_lowered;
	s6 =	simm.s32 $_tile_overlayer_lowered  }
0x13: {  	s23 =	simm.s32 $0x1BFF;
	s22 =	sshll.u32 s6, $0x1;
	s3 =	sadd.s32 s4, s20  }
0x14: {  	s7 =	simm.s32 $0x0;
	s21 =	sshll.u32 s5, $0x1;
	s5 =	sadd.s32 s22, s3  }
0x15: {  	[timem:s7], [sflag:s23] =	dma.local [hbm:s5], s21  }
0x16: {  	_ =	swait.ge [sflag:s23], s21  }
0x17: {  	s4 =	ssub.s32 $0x0, s21;
	[sflag:s23] =	ssyncset.done $0x0  }
0x18: {  	[sflag:s23] =	ssyncadd.s32 s4;
	_ =	sdelay $0x1  }
0x19: {  	s24 =	simm.s32 $0x1B8B  }
0x1a: {  	_ =	swait.ge [sflag:s24], $0x1  }
0x1b: {  	[sflag:s24] =	ssyncset.done $0x0  }
0x1c: {  	s26 =	simm.s32 $0x1B8E;
	s25 =	sld [smem:$0x3FFE];
	[sflag:s24] =	ssyncadd.s32 $0xFFFFFFFF  }
0x1d: {  	s27 =	simm.s32 $execute0_lowered;
	[smem:$0x3FD2] =	sst s26  }
0x1e: {  	s5 =	sshll.u32 s27, $0x1;
	_ =	strace $0x80000049;
	[dreg:$0x1] =	wrdreg $0xFFFFFFFF  }
0x1f: {  	s28 =	simm.s32 $_size_execute0_lowered;
	s3 =	sadd.s32 s3, s5;
	[dreg:$0x0] =	wrdreg $0x0  }
0x20: {  	s5 =	sshll.u32 s28, $0x1;
	[dreg:$0x2] =	wrdreg s3  }
0x21: {  	[dreg:$0x3] =	wrdreg s5  }
0x22: {  	[dreg:$0x4] =	wrdreg $0xC0  }
0x23: {  	_ =	task [dreg:s7], $0x5FFFF  }
0x24: {  	[dreg:$0x1] =	wrdreg $0xFFFFFFFF  }
0x25: {  	[dreg:$0x0] =	wrdreg $0x60  }
0x26: {  	[dreg:$0x2] =	wrdreg s25  }
0x27: {  	[dreg:$0x3] =	wrdreg s2  }
0x28: {  	[dreg:$0x4] =	wrdreg $0x9  }
0x29: {  	_ =	task.clear_ibuf [dreg:s7], $0x5FFFF;
	_ =	strace $0x90000049  }
0x2a: {  	s29 =	simm.s32 $0x9;
	_ =	strace $0x8000004B  }
0x2b: {  	_ =	swait.ge [sflag:s29], $0x1  }
0x2c: {  	[sflag:s29] =	ssyncadd.s32 $0xFFFFFFFF  }
0x2d: {  	_ =	strace $0x9000004B  }
0x2e: {  	_ =	sfence  }
0x2f: {  	s30 =	sld [smem:$0x0];
	_ =	sdelay $0x2  }
0x30: {  	s31 =	sshll.u32 s1, $0xD;
	s1 =	sshrl.u32 s1, $0x2  }
0x31: {  	s3 =	sand.u32 $0x4000, s31;
	s1 =	sadd.s32 s1, s30  }
0x32: {  	s0 =	sor.u32 s3, s0;
	s1 =	sshll.u32 s1, $0x11  }
0x33: {  	s0 =	sor.u32 s1, s0  }
0x34: {  	s0 =	sadd.s32 $0x8F2B, s0  }
0x35: {  	[sflag:s0] =	ssyncadd.remote.s32 $0x1  }
0x36: {  	_ =	sfence.sel $0xFFFF  }
0x37: {  	[dreg:$0x0] =	wrdreg $0xFFFFFFFF;
	(pc) =	sbr.abs _section_cstart, $3  }
0x38: {  	[dreg:$0x1] =	wrdreg $0xFFFFFFFF  }
0x39: {  	_ =	task.clear_ibuf [dreg:s7], $0x2FFFF;
	_ =	strace $0x9FFFFFFF  }
0x3a: {  	(tm) =	ssettm $0x7FFFFFFF  }
0x3b: {  	_ =	shalt  }
tec
execute0_lowered:
.L_overlay_start_1:
0x0: {  	(tag) =	ssettag $0x1  }
0x1: {  	s0 =	rddreg [dreg:$0x0];
	s4 =	stileid.u32;
	_ =	strace $0x8000004A  }
0x2: {  	s2 =	srdreg.scid;
	s30 =	simm.s32 $0x1;
	s31 =	simm.s32 $0x2  }
0x3: {  	s22 =	simm.s32 $0x0;
	s21 =	simm.s32 $0x0;
	s23 =	simm.s32 $0x0  }
0x4: {  	s24 =	simm.s32 $0x0;
	s12 =	simm.s32 $0x0;
	s13 =	simm.s32 $0x0  }
0x5: {  	s14 =	simm.s32 $0x0;
	s18 =	simm.s32 $0x0;
	s15 =	simm.s32 $0x0  }
0x6: {  	s19 =	simm.s32 $0x0;
	s7 =	sand.u32 $0x1, s4;
	s29 =	sshll.u32 s2, $0x4  }
0x7: {  	s8 =	sadd.s32 $0x1000, s0;
	s1 =	ssub.s32 $0x2, s7;
	s0 =	sand.u32 $0x10, s29  }
0x8: {  	[dreg:$0x3] =	wrdreg s7;
	s3 =	sshrl.u32 s1, $0x1;
	s1 =	sand.u32 $0x1, s1  }
.Ltmp0:
0x9: {  	s0 =	sor.u32 s4, s0;
	s1 =	sadd.s32 s1, s3;
	(pc) =	sbr.rel .LBB1_1-.Ltmp0, $4  }
0xa: {  	[dreg:$0x4] =	wrdreg s8;
	s10 =	sshrl.u32 s0, $0x1;
	s9 =	smul.u32 $0x30, s1  }
0xb: {  	s20 =	simm.s32 $0x0;
	[sflag:s30] =	ssyncpa.u1 $0x0;
	[dreg:$0x6] =	wrdreg s10  }
0xc: {  	[sflag:s31] =	ssyncpa.u1 $0x0;
	s11 =	sor.u32 $0x1, s9;
	[dreg:$0x5] =	wrdreg s9  }
0xd: {  	s17 =	smov.u32 s7;
	s16 =	smov.u32 s10;
	[dreg:$0x7] =	wrdreg s11  }
.LBB1_15:
0xe: {  	s13 =	rddreg [dreg:$0x9]  }
0xf: {  	s1 =	rddreg [dreg:$0x14]  }
0x10: {  	s26 =	rddreg [dreg:$0x13]  }
0x11: {  	s27 =	rddreg [dreg:$0x15]  }
0x12: {  	s18 =	rddreg [dreg:$0xc]  }
0x13: {  	s14 =	rddreg [dreg:$0xa]  }
0x14: {  	s12 =	rddreg [dreg:$0x8]  }
0x15: {  	s5 =	rddreg [dreg:$0x1]  }
0x16: {  	s30 =	rddreg [dreg:$0x16]  }
0x17: {  	s7 =	rddreg [dreg:$0x3]  }
0x18: {  	s8 =	rddreg [dreg:$0x4]  }
0x19: {  	s9 =	rddreg [dreg:$0x5]  }
0x1a: {  	s10 =	rddreg [dreg:$0x6]  }
0x1b: {  	s11 =	rddreg [dreg:$0x7]  }
0x1c: {  	s15 =	rddreg [dreg:$0xb];
	p0 =	sgt.s32 s13, $0x0;
	s0 =	smov.u32 s13  }
0x1d: {  	s19 =	rddreg [dreg:$0xd];
	s0 =	simm.s32 @!p0 $0x0  }
0x1e: {  	s20 =	rddreg [dreg:$0xe];
	s0 =	sadd.s32 s0, s1  }
0x1f: {  	s21 =	rddreg [dreg:$0xf];
	p0 =	sgt.s32 s0, $0x7F;
	s0 =	ssub.s32 $0x80, s0  }
0x20: {  	s22 =	rddreg [dreg:$0x10];
	s28 =	smul.u32 $0x120000, s18;
	s0 =	simm.s32 @p0 $0x0  }
0x21: {  	s23 =	rddreg [dreg:$0x11];
	s0 =	smul.u32 s0, s26  }
0x22: {  	s31 =	simm.s32 $0x400;
	s24 =	rddreg [dreg:$0x12];
	s2 =	smul.u32 $0x3000, s14  }
0x23: {  	s3 =	sshll.u32 s12, $0x4;
	s4 =	sshrl.u32 s13, $0x3;
	s0 =	smul.u32 s27, s0  }
0x24: {  	s29 =	sand.u32 $0x7, s13;
	s4 =	sand.u32 $0xF, s4;
	s1 =	sadd.s32 s5, s28  }
0x25: {  	s3 =	sand.u32 $0x70, s3;
	s1 =	sadd.s32 s2, s1;
	s0 =	smul.u32 $0x60, s0  }
0x26: {  	s2 =	sshll.u32 s29, $0x12;
	s1 =	sadd.s32 s4, s1;
	s4 =	sor.u32 $0x8000, s30  }
0x27: {  	s2 =	sor.u32 $0x80, s2;
	s1 =	sadd.s32 s3, s1;
	s0 =	sand.u32 $0x3FFFFFE0, s0  }
0x28: {  	[hbm4b:s1+s2] =	stream.strided.scatter [tilespmem:s4], [sflag:$0x2], s0, s31, s2, $0x20;
	[tilespmem:$0x10100] =	vst v63  }
.LBB1_16:
0x29: {  	p0 =	slt.u32 s20, $0x2;
	s0 =	smov.u32 s24  }
0x2a: {  	s2 =	smov.u32 s23;
	p1 =	sgt.s32 @!p0 s24, $0x1;
	s1 =	sshra.s32 @!p0 s24, $0x1F  }
0x2b: {  	s3 =	sshra.s32 @!p0 s23, $0x1F;
	p3 =	sgt.s32 @!p0 s22, $0x7;
	s4 =	ssub.s32 @!p0 $0x0, s21  }
0x2c: {  	p1 =	por !p1, p0;
	s1 =	sand.u32 @!p0 s1, s24;
	s3 =	sand.u32 @!p0 s3, s23  }
0x2d: {  	s0 =	simm.s32 @p1 $0x1;
	p1 =	sgt.s32 @!p0 s23, $0x5F;
	s1 =	sxor.u32 @!p0 $0xFFFFFFFF, s1  }
0x2e: {  	p3 =	por !p3, p0;
	p1 =	por !p1, p0;
	s0 =	sadd.s32 @!p0 s1, s0  }
0x2f: {  	s2 =	simm.s32 @p1 $0x5F;
	p1 =	sgt.s32 @!p0 s0, $0x0;
	s0 =	ssub.s32 @!p0 $0x1, s0  }
0x30: {  	s1 =	ssub.s32 @!p0 s2, s3;
	s3 =	sshra.s32 @!p0 s22, $0x1F;
	s0 =	smul.u32 @!p0 $0x60, s0  }
0x31: {  	p1 =	por !p1, p0;
	s2 =	sadd.s32 @!p0 $0xFFFFFFA1, s1;
	s1 =	ssub.s32 @!p0 $0x60, s1  }
0x32: {  	s3 =	sand.u32 @!p0 s3, s22;
	p2 =	sgt.s32 @!p0 s2, $0x0;
	s2 =	smov.u32 s22  }
0x33: {  	s0 =	simm.s32 @!p1 $0x0;
	p2 =	por !p2, p0;
	s2 =	simm.s32 @p3 $0x7  }
0x34: {  	s1 =	simm.s32 @!p2 $0x0;
	s2 =	ssub.s32 @!p0 s2, s3;
	s3 =	smin.u32 @!p0 s21, s4  }
0x35: {  	s4 =	sadd.s32 @!p0 $0xFFFFFFF9, s2;
	p2 =	sgt.s32 @!p0 s3, $0x7F;
	s3 =	ssub.s32 @!p0 $0x80, s3  }
0x36: {  	s0 =	smul.u32 @!p0 s1, s0;
	s1 =	ssub.s32 @!p0 $0x8, s2;
	p1 =	por !p2, p0  }
0x37: {  	s2 =	sadd.s32 $0x1, s15;
	p2 =	sgt.s32 @!p0 s4, $0x0;
	s3 =	simm.s32 @!p1 $0x0  }
0x38: {  	s4 =	smov.u32 s19;
	p1 =	por !p2, p0;
	s0 =	smul.u32 @!p0 s3, s0  }
0x39: {  	s1 =	simm.s32 @!p1 $0x0;
	p1 =	sgt.s32 s2, $0x7;
	s3 =	sadd.s32 $0x80, s19  }
0x3a: {  	s5 =	sadd.s32 $0x2, s17;
	s4 =	smov.u32 @p1 s3;
	s3 =	smov.u32 s16  }
0x3b: {  	s0 =	smul.u32 @!p0 s1, s0;
	p2 =	sgt.s32 s4, $0x5F;
	s1 =	sadd.s32 $0x10, s16  }
0x3c: {  	s6 =	smov.u32 s17;
	s24 =	smov.u32 s18;
	s3 =	smov.u32 @p2 s1  }
0x3d: {  	s18 =	smov.u32 s17;
	s23 =	smov.u32 s14;
	p3 =	sgt.s32 s3, $0x5F  }
0x3e: {  	s14 =	smov.u32 s16;
	s22 =	smov.u32 s12;
	s6 =	smov.u32 @p3 s5  }
0x3f: {  	s12 =	smov.u32 s15;
	s2 =	simm.s32 @p1 $0x0;
	p1 =	sgt.s32 s6, $0x1  }
0x40: {  	s21 =	smov.u32 s13;
	s6 =	smov.u32 @p1 s7;
	p1 =	sne.s32 s20, s11  }
.Ltmp1:
0x41: {  	s13 =	smov.u32 s19;
	s15 =	smov.u32 s2;
	(pc) =	sbr.rel @!p1 .LBB1_17-.Ltmp1, $4  }
0x42: {  	s1 =	simm.s32 @!p0 $0x2;
	s4 =	simm.s32 @p2 $0x0;
	s0 =	sand.u32 @!p0 $0x3FFFFFE0, s0  }
0x43: {  	s19 =	smov.u32 s4;
	_ =	swait.ge @!p0 [sflag:s1], s0;
	s3 =	smov.u32 @p3 s10  }
0x44: {  	s0 =	ssub.s32 @!p0 $0x0, s0;
	[sflag:s1] =	ssyncset.done @!p0 $0x0;
	s16 =	smov.u32 s3  }
0x45: {  	s20 =	sadd.s32 $0x1, s20;
	[sflag:s1] =	ssyncadd.s32 @!p0 s0;
	s17 =	smov.u32 s6  }
.LBB1_1:
0x46: {  	p0 =	sge.u32 s20, s9;
	s0 =	smov.u32 s16;
	s3 =	smov.u32 s17  }
0x47: {  	s4 =	smov.u32 s15;
	p1 =	sgt.s32 @!p0 s16, $0x5F;
	p2 =	sgt.s32 @!p0 s17, $0x1  }
0x48: {  	s1 =	sshra.s32 @!p0 s16, $0x1F;
	s2 =	sshra.s32 @!p0 s17, $0x1F;
	p1 =	por !p1, p0  }
0x49: {  	s1 =	sand.u32 @!p0 s1, s16;
	s2 =	sand.u32 @!p0 s2, s17;
	s0 =	simm.s32 @p1 $0x5F  }
0x4a: {  	p1 =	por !p2, p0;
	p2 =	sgt.s32 @!p0 s19, $0xFFFFFFE0;
	s0 =	ssub.s32 @!p0 s0, s1  }
0x4b: {  	s3 =	simm.s32 @p1 $0x1;
	s1 =	sxor.u32 @!p0 $0xFFFFFFFF, s2;
	p2 =	por !p2, p0  }
0x4c: {  	s2 =	sadd.s32 @!p0 $0xFFFFFFA1, s0;
	s1 =	sadd.s32 @!p0 s1, s3;
	s0 =	ssub.s32 @!p0 $0x60, s0  }
0x4d: {  	s3 =	sshra.s32 @!p0 s19, $0x1F;
	p1 =	sgt.s32 @!p0 s2, $0x0;
	s2 =	smov.u32 s19  }
0x4e: {  	s3 =	sand.u32 @!p0 s3, s19;
	p1 =	por !p1, p0;
	s2 =	simm.s32 @p2 $0xFFFFFFE0  }
0x4f: {  	p2 =	sgt.s32 @!p0 s1, $0x0;
	s1 =	sshll.u32 @!p0 s1, $0x7;
	s0 =	simm.s32 @!p1 $0x0  }
0x50: {  	s2 =	ssub.s32 @!p0 s2, s3;
	p1 =	sgt.s32 @!p0 s15, $0x7;
	s1 =	ssub.s32 @!p0 $0x80, s1  }
0x51: {  	p2 =	por !p2, p0;
	s3 =	sadd.s32 @!p0 $0x20, s2;
	p1 =	por !p1, p0  }
0x52: {  	s4 =	simm.s32 @p1 $0x7;
	p1 =	sgt.s32 @!p0 s3, $0x7F;
	s3 =	sshra.s32 @!p0 s15, $0x1F  }
0x53: {  	s2 =	ssub.s32 @!p0 $0x60, s2;
	s1 =	simm.s32 @!p2 $0x0;
	s3 =	sand.u32 @!p0 s3, s15  }
0x54: {  	s0 =	smul.u32 @!p0 s0, s1;
	p1 =	por !p1, p0;
	s3 =	ssub.s32 @!p0 s4, s3  }
0x55: {  	s31 =	sadd.s32 $0xFFFFFFFF, s20;
	s2 =	simm.s32 @!p1 $0x0;
	s1 =	sadd.s32 @!p0 $0xFFFFFFF9, s3  }
0x56: {  	s4 =	sxor.u32 @!p0 $0xFFFFFFFF, s20;
	s0 =	smul.u32 @!p0 s2, s0;
	p1 =	sgt.s32 @!p0 s1, $0x0  }
0x57: {  	s2 =	smul.u32 @!p0 $0x120000, s17;
	s1 =	ssub.s32 @!p0 $0x8, s3;
	p1 =	por !p1, p0  }
0x58: {  	s3 =	sshll.u32 @!p0 s4, $0xE;
	s4 =	smul.u32 @!p0 $0x3000, s16;
	s1 =	simm.s32 @!p1 $0x0  }
0x59: {  	s5 =	sshll.u32 @!p0 s15, $0x4;
	s0 =	smul.u32 @!p0 s1, s0;
	s1 =	sadd.s32 @!p0 s8, s2  }
0x5a: {  	s3 =	sand.u32 @!p0 $0x4000, s3;
	s2 =	sshll.u32 @!p0 s19, $0x7;
	s1 =	sadd.s32 @!p0 s4, s1  }
0x5b: {  	s4 =	sand.u32 @!p0 $0x70, s5;
	s0 =	sand.u32 @!p0 $0x3FFFFF80, s0;
	s1 =	sadd.s32 @!p0 s2, s1  }
0x5c: {  	s2 =	simm.s32 @!p0 $0x80;
	s1 =	sadd.s32 @!p0 s4, s1;
	s4 =	simm.s32 @!p0 $0x400  }
0x5d: {  	[tilespmem:s3], [sflag:$0x1] =	stream.strided.gather @!p0 [hbm4b:s1+s2], s0, s4, s2, $0x38;
	[tilespmem:$0x10100] =	vst v63  }
0x5e: {  	p0 =	sge.u32 s31, s9  }
.Ltmp2:
0x5f: {  	_ = 	snop;
	(pc) =	sbr.rel @p0 .LBB1_16-.Ltmp2, $1  }
0x60: {  	_ =	sdelay $0x3  }
0x61: {  	[dreg:$0x12] =	wrdreg s24  }
0x62: {  	[dreg:$0x11] =	wrdreg s23  }
0x63: {  	[dreg:$0x10] =	wrdreg s22  }
0x64: {  	[dreg:$0xf] =	wrdreg s21  }
0x65: {  	[dreg:$0xd] =	wrdreg s19  }
0x66: {  	[dreg:$0xb] =	wrdreg s15;
	p0 =	sgt.s32 s18, $0x1  }
0x67: {  	s0 =	smov.u32 s18;
	s1 =	sshra.s32 s18, $0x1F;
	s2 =	smov.u32 s14  }
0x68: {  	s3 =	sshra.s32 s14, $0x1F;
	s15 =	ssub.s32 $0x0, s13;
	s19 =	sshra.s32 s13, $0x1F  }
0x69: {  	s4 =	smov.u32 s12;
	s5 =	sshra.s32 s12, $0x1F;
	s6 =	smov.u32 s13  }
0x6a: {  	[dreg:$0xc] =	wrdreg s18;
	s0 =	simm.s32 @!p0 $0x1;
	s1 =	sand.u32 s1, s18  }
0x6b: {  	p0 =	sgt.s32 s14, $0x5F;
	s3 =	sand.u32 s3, s14;
	s1 =	sxor.u32 $0xFFFFFFFF, s1  }
0x6c: {  	s5 =	sand.u32 s5, s12;
	s2 =	simm.s32 @!p0 $0x5F;
	s0 =	sadd.s32 s1, s0  }
0x6d: {  	s11 =	ssub.s32 s2, s3;
	s3 =	sand.u32 s15, s19;
	p0 =	sgt.s32 s0, $0x0  }
0x6e: {  	s2 =	sadd.s32 $0xFFFFFFA1, s11;
	s0 =	ssub.s32 $0x1, s0;
	s1 =	ssub.s32 $0x60, s11  }
0x6f: {  	[dreg:$0x14] =	wrdreg s3;
	p1 =	sgt.s32 s2, $0x0;
	s0 =	simm.s32 @p0 $0x0  }
0x70: {  	p0 =	sgt.s32 s12, $0x7;
	s1 =	simm.s32 @p1 $0x0;
	p1 =	sgt.s32 s13, $0xFFFFFFE0  }
0x71: {  	s2 =	sadd.s32 $0x1, s18;
	s4 =	simm.s32 @!p0 $0x7;
	s6 =	simm.s32 @!p1 $0xFFFFFFE0  }
0x72: {  	s21 =	ssub.s32 s4, s5;
	s22 =	smul.u32 s0, s1;
	s23 =	sadd.s32 s3, s6  }
0x73: {  	s24 =	sadd.s32 $0xFFFFFFF9, s21;
	s1 =	ssub.s32 $0x8, s21;
	s3 =	sadd.s32 $0x20, s23  }
0x74: {  	p0 =	sgt.s32 s24, $0x0;
	s0 =	ssub.s32 $0x60, s23;
	p1 =	sgt.s32 s3, $0x7F  }
0x75: {  	s1 =	simm.s32 @p0 $0x0;
	p0 =	slt.s32 s2, $0x2;
	s3 =	sadd.s32 $0x1, s14  }
0x76: {  	[dreg:$0x15] =	wrdreg s1;
	s1 =	smul.u32 s22, s1;
	s2 =	simm.s32 @!p0 $0x2  }
0x77: {  	s0 =	simm.s32 @p1 $0x0;
	p0 =	slt.s32 s3, $0x60;
	s26 =	ssub.s32 s2, s18  }
0x78: {  	s3 =	simm.s32 @!p0 $0x60;
	s0 =	smul.u32 s0, s1;
	s1 =	sadd.s32 $0x80, s13  }
0x79: {  	s28 =	ssub.s32 s3, s14;
	p0 =	slt.s32 s26, $0x1;
	p1 =	slt.s32 s1, $0x60  }
0x7a: {  	s2 =	sadd.s32 $0x1, s12;
	s1 =	simm.s32 @!p1 $0x60;
	p1 =	slt.s32 @!p0 s28, $0x1  }
0x7b: {  	p2 =	slt.s32 s2, $0x8;
	s29 =	ssub.s32 s1, s13;
	p1 =	por p0, p1  }
0x7c: {  	[dreg:$0xa] =	wrdreg s14;
	s2 =	simm.s32 @!p2 $0x8;
	p2 =	slt.s32 @!p1 s29, $0x1  }
0x7d: {  	[dreg:$0x9] =	wrdreg s13;
	s30 =	ssub.s32 s2, s12;
	p1 =	por p1, p2  }
0x7e: {  	[dreg:$0x8] =	wrdreg s12;
	p2 =	slt.s32 @!p1 s30, $0x1  }
0x7f: {  	[dreg:$0xe] =	wrdreg s20;
	p1 =	por p1, p2  }
.Ltmp3:
0x80: {  	s27 =	simm.s32 $0x1;
	s0 =	sshll.u32 s0, $0x7;
	(pc) =	sbr.rel @p1 .LBB1_15-.Ltmp3, $4  }
0x81: {  	[dreg:$0x13] =	wrdreg s22;
	s25 =	sand.u32 $0x3FFFFF80, s0;
	s0 =	sand.u32 $0x1, s20  }
0x82: {  	_ =	swait.ge [sflag:s27], s25;
	s31 =	smul.u32 $0x4080, s0  }
0x83: {  	s1 =	ssub.s32 $0x0, s25;
	[sflag:s27] =	ssyncset.done $0x0  }
0x84: {  	[sflag:s27] =	ssyncadd.s32 s1;
	[dreg:$0x16] =	wrdreg s31  }
.Ltmp4:
0x85: {  	(pc) =	sbr.rel .LBB1_4-.Ltmp4, $3  }
0x86: {  	_ =	sdelay $0x1  }
0x87: {  	s31 =	sshll.u32 @!p0 s0, $0xE;
	s0 =	rddreg [dreg:$0x16]  }
0x88: {  	s1 =	simm.s32 $0x0;
	s0 =	sor.u32 @!p0 $0x8000, s0  }
.LBB1_14:
0x89: {  	s1 =	sadd.s32 $0x1, s1  }
0x8a: {  	p0 =	sne.s32 s1, s26  }
.Ltmp5:
0x8b: {  	_ = 	snop;
	(pc) =	sbr.rel @!p0 .LBB1_15-.Ltmp5, $1  }
0x8c: {  	_ =	sdelay $0x3  }
.LBB1_4:
.Ltmp6:
0x8d: {  	(pc) =	sbr.rel .LBB1_5-.Ltmp6, $2  }
0x8e: {  	_ =	sdelay $0x2  }
0x8f: {  	s2 =	simm.s32 $0x0  }
.LBB1_13:
0x90: {  	s2 =	sadd.s32 $0x1, s2  }
0x91: {  	p0 =	sne.s32 s2, s28  }
.Ltmp7:
0x92: {  	_ = 	snop;
	(pc) =	sbr.rel @!p0 .LBB1_14-.Ltmp7, $1  }
0x93: {  	_ =	sdelay $0x3  }
.LBB1_5:
0x94: {  	s3 =	sadd.s32 s1, s2  }
0x95: {  	s4 =	smul.u32 $0x10200, s3;
	_ =	sdelay $0x1  }
0x96: {  	s23 =	simm.s32 $0x0;
	s3 =	sshll.u32 s3, $0x10;
	s4 =	sshra.s32 s4, $0x2  }
0x97: {  	s24 =	simm.s32 $0x0;
	s3 =	sshra.s32 s3, $0x2;
	s9 =	sadd.s32 s4, s0  }
0x98: {  	s5 =	sadd.s32 s3, s31;
	s4 =	sadd.s32 $0x810, s9;
	s8 =	sadd.s32 $0x1020, s9  }
0x99: {  	s3 =	sadd.s32 $0x1830, s9;
	s7 =	sadd.s32 $0x2040, s9;
	s6 =	sadd.s32 $0x2850, s9  }
.LBB1_6:
0x9a: {  	s10 =	sshll.u32 s24, $0x9  }
0x9b: {  	s10 =	sshra.s32 s10, $0x2  }
0x9c: {  	s10 =	sadd.s32 s10, s5  }
0x9d: {  	v0 =	vmov s10;
	_ =	sdelay $0x3  }
0x9e: {  	s22 =	sand.u32 $0x380, s23;
	p1 =	sne.s32 s30, $0x1  }
.Ltmp8:
0x9f: {  	v9 =	vld.idx.msk [tilespmem:v0+s22+$0x0 ss:$0x1], $0xffff;
	(pc) =	sbr.rel @!p1 .LBB1_7-.Ltmp8, $4  }
0xa0: {  	s11 =	sand.u32 $0x7F, s24;
	s13 =	sand.u32 $0x7, s23;
	p0 =	por $0x0, $0x0;
	v11 =	vld.idx.msk [tilespmem:v0+s22+$0x10 ss:$0x1], $0xffff  }
0xa1: {  	s12 =	sadd.s32 s11, s9;
	s19 =	sadd.s32 s11, s8;
	s20 =	sadd.s32 s11, s3;
	v10 =	vld.idx.msk [tilespmem:v0+s22+$0x20 ss:$0x1], $0xffff  }
0xa2: {  	s25 =	sadd.s32 s11, s7;
	s27 =	sadd.s32 s11, s6;
	s18 =	smul.u32 $0x81, s13;
	v8 =	vld.idx.msk [tilespmem:v0+s22+$0x30 ss:$0x1], $0xffff  }
0xa3: {  	s13 =	simm.s32 $0x80;
	s10 =	sadd.s32 s11, s4;
	s11 =	simm.s32 $0x1;
	v7 =	vld.idx.msk [tilespmem:v0+s22+$0x40 ss:$0x1], $0xffff  }
0xa4: {  	_ =	sdelay $0x3  }
0xa5: {  	s14 =	sand.u32 $0x380, s13;
	s21 =	sadd.s32 s18, s12;
	v1 =	vld.idx.msk [tilespmem:v0+s22+$0x50 ss:$0x1], $0xffff;
	p1 =	sne.s32 s30, $0x2  }
.Ltmp9:
0xa6: {  	s15 =	sadd.s32 s18, s10;
	v2 =	vld.idx.msk [tilespmem:v0+s14+$0x0 ss:$0x1], $0xffff;
	[tilespmem:s21+$0x0 ss:$0x81] =	vst.msk $0xffff, v9;
	(pc) =	sbr.rel @!p1 .LBB1_9-.Ltmp9, $4  }
0xa7: {  	v3 =	vld.idx.msk [tilespmem:v0+s14+$0x10 ss:$0x1], $0xffff;
	[tilespmem:s15+$0x0 ss:$0x81] =	vst.msk $0xffff, v11;
	s21 =	sadd.s32 s18, s19  }
0xa8: {  	s11 =	sand.u32 $0x7, s11;
	v4 =	vld.idx.msk [tilespmem:v0+s14+$0x20 ss:$0x1], $0xffff;
	s15 =	sadd.s32 s18, s20;
	[tilespmem:s21+$0x0 ss:$0x81] =	vst.msk $0xffff, v10  }
0xa9: {  	s22 =	simm.s32 $0x2;
	v5 =	vld.idx.msk [tilespmem:v0+s14+$0x30 ss:$0x1], $0xffff;
	s21 =	smul.u32 $0x81, s11;
	[tilespmem:s15+$0x0 ss:$0x81] =	vst.msk $0xffff, v8;
	s15 =	sadd.s32 s18, s25  }
0xaa: {  	s13 =	sadd.s32 s18, s27;
	p0 =	por $0x1, $0x1;
	v6 =	vld.idx.msk [tilespmem:v0+s14+$0x40 ss:$0x1], $0xffff;
	s11 =	simm.s32 $0x100;
	[tilespmem:s15+$0x0 ss:$0x81] =	vst.msk $0xffff, v7  }
.LBB1_10:
0xab: {  	s18 =	sadd.s32 s21, s12;
	[tilespmem:s13+$0x0 ss:$0x81] =	vst.msk $0xffff, v1;
	s13 =	smov.u32 s22;
	s22 =	sadd.s32 $0x1, s22  }
0xac: {  	v1 =	vld.idx.msk [tilespmem:v0+s14+$0x50 ss:$0x1], $0xffff;
	s14 =	sand.u32 $0x380, s11;
	s15 =	smov.u32 s21;
	p1 =	sne.s32 s30, s22  }
.Ltmp10:
0xad: {  	[tilespmem:s18+$0x0 ss:$0x81] =	vst.msk $0xffff, v2;
	v2 =	vld.idx.msk [tilespmem:v0+s14+$0x0 ss:$0x1], $0xffff;
	s18 =	sadd.s32 s15, s10;
	(pc) =	sbr.rel @p1 .LBB1_10-.Ltmp10, $4  }
0xae: {  	[tilespmem:s18+$0x0 ss:$0x81] =	vst.msk $0xffff, v3;
	v3 =	vld.idx.msk [tilespmem:v0+s14+$0x10 ss:$0x1], $0xffff;
	s18 =	sadd.s32 s15, s19  }
0xaf: {  	s13 =	sand.u32 $0x7, s13;
	[tilespmem:s18+$0x0 ss:$0x81] =	vst.msk $0xffff, v4;
	v4 =	vld.idx.msk [tilespmem:v0+s14+$0x20 ss:$0x1], $0xffff;
	s18 =	sadd.s32 s15, s20  }
0xb0: {  	s21 =	smul.u32 $0x81, s13;
	s13 =	sadd.s32 s15, s25;
	[tilespmem:s18+$0x0 ss:$0x81] =	vst.msk $0xffff, v5;
	v5 =	vld.idx.msk [tilespmem:v0+s14+$0x30 ss:$0x1], $0xffff  }
0xb1: {  	s11 =	sadd.s32 $0x80, s11;
	[tilespmem:s13+$0x0 ss:$0x81] =	vst.msk $0xffff, v6;
	v6 =	vld.idx.msk [tilespmem:v0+s14+$0x40 ss:$0x1], $0xffff;
	s13 =	sadd.s32 s15, s27  }
0xb2: {  	_ =	sdelay $0x3  }
0xb3: {  	s18 =	smov.u32 s21;
	s22 =	smov.u32 s14;
	v9 =	vmovc v2;
	v11 =	vmovc v3;
	v10 =	vmov v4;
	v8 =	vmov v5;
	v7 =	vmov v6  }
.LBB1_12:
0xb4: {  	_ =	sdelay $0x2  }
0xb5: {  	s11 =	sadd.s32 s18, s12;
	[tilespmem:s13+$0x0 ss:$0x81] =	vst.msk @p0 $0xffff, v1;
	s24 =	sadd.s32 $0x1, s24  }
0xb6: {  	v0 =	vld.idx.msk [tilespmem:v0+s22+$0x50 ss:$0x1], $0xffff;
	s10 =	sadd.s32 s18, s10;
	[tilespmem:s11+$0x0 ss:$0x81] =	vst.msk $0xffff, v9;
	p0 =	sne.s32 s24, s29  }
.Ltmp11:
0xb7: {  	s21 =	sadd.s32 s18, s19;
	[tilespmem:s10+$0x0 ss:$0x81] =	vst.msk $0xffff, v11;
	(pc) =	sbr.rel @p0 .LBB1_6-.Ltmp11, $4  }
.Ltmp12:
0xb8: {  	s22 =	sadd.s32 s18, s20;
	[tilespmem:s21+$0x0 ss:$0x81] =	vst.msk $0xffff, v10;
	(pc) =	sbr.rel @!p0 .LBB1_13-.Ltmp12, $4  }
0xb9: {  	s25 =	sadd.s32 s18, s25;
	[tilespmem:s22+$0x0 ss:$0x81] =	vst.msk $0xffff, v8  }
0xba: {  	s27 =	sadd.s32 s18, s27;
	[tilespmem:s25+$0x0 ss:$0x81] =	vst.msk $0xffff, v7  }
0xbb: {  	[tilespmem:s27+$0x0 ss:$0x81] =	vst.msk $0xffff, v0  }
0xbc: {  	_ = 	snop  }
.LBB1_7:
.Ltmp13:
0xbd: {  	(pc) =	sbr.rel .LBB1_12-.Ltmp13, $2  }
0xbe: {  	_ =	sdelay $0x2  }
0xbf: {  	_ = 	snop  }
.LBB1_9:
.Ltmp14:
0xc0: {  	_ = 	snop;
	(pc) =	sbr.rel .LBB1_12-.Ltmp14, $2  }
0xc1: {  	_ =	sdelay $0x2  }
0xc2: {  	s18 =	smov.u32 s21;
	s22 =	smov.u32 s14;
	v9 =	vmovc v2;
	v11 =	vmovc v3;
	v10 =	vmov v4;
	v8 =	vmov v5;
	v7 =	vmov v6  }
.LBB1_17:
0xc3: {  	_ =	sfence.sel $0x180000  }
0xc4: {  	s0 =	simm.s32 $0x1;
	[bflag:$0x0] =	sbarrier.arrive $0xFFFF  }
0xc5: {  	s30 =	simm.s32 $0x2;
	[sflag:s0] =	ssyncpa.u1 $0x1  }
0xc6: {  	[sflag:s30] =	ssyncpa.u1 $0x1  }
0xc7: {  	_ =	strace $0x9000004A  }
0xc8: {  	s31 =	stileid.u32;
	[bflag:$0x2] =	sbarrier.arrive $0xFFFF  }
0xc9: {  	p0 =	sne.s32 s31, $0x0;
	s0 =	rddreg [dreg:$0x2]  }
0xca: {  	s0 =	sadd.s32 @!p0 $0x100000, s0  }
0xcb: {  	[sflag:s0] =	ssyncadd.tile.s32 @!p0 $0x1;
	_ =	shalt  }
.Lfunc_end1:
_tile_overlayer_lowered:
.L_overlay_start_2:
0xcc: {  	(tag) =	ssettag $0x2  }
0xcd: {  	s0 =	rddreg [dreg:$0x0];
	s2 =	stileid.u32  }
0xce: {  	s1 =	rddreg [dreg:$0x1];
	p0 =	sne.s32 s2, $0x0  }
0xcf: {  	s3 =	rddreg [dreg:$0x2];
	[bflag:$0x3] =	sbarrier.arrive $0xFFFF;
	s2 =	simm.s32 @!p0 $0x1C01  }
0xd0: {  	[timem:s3], [sflag:s2] =	dma.local @!p0 [hbm:s0], s1  }
0xd1: {  	s0 =	simm.s32 @!p0 $0x1  }
0xd2: {  	_ =	swait.ge @!p0 [sflag:s0], s1  }
0xd3: {  	s1 =	ssub.s32 @!p0 $0x0, s1;
	[sflag:s0] =	ssyncset.done @!p0 $0x0  }
0xd4: {  	[sflag:s0] =	ssyncadd.s32 @!p0 s1  }
0xd5: {  	[bflag:$0x3] =	sbarrier.arrive $0xFFFF  }
0xd6: {  	_ =	shalt  }

</sc_bundles>
